<compile_context>
chip_gen: v7x
topology: tpu7x:2x2x1
jax: 0.10.2.dev20260603
libtpu: 0.0.44.dev20260713+nightly
codegen_flags: <defaults>
</compile_context>

<pallas_src>
import functools

import jax
import jax.numpy as jnp
from jax import lax
from jax.experimental import pallas as pl
from jax.experimental.pallas import tpu as pltpu
from jax.experimental.pallas import tpu_sc as plsc

_N = 10000
_D_IN = 1024
_D_H = 512
_D_ATT = 256
_NC = 10
_NCLS = 4

_B = 512
_NBLK = 20
_NB = _NBLK + _NC
_TOT = _NBLK * _B

_NCORES = 2
_NSUB = 16
_NW = _NCORES * _NSUB
_RPW = _TOT // _NW
_CH = 40
_NBUF = 3


def _sc_gather_body(x_hbm, idx_hbm, out_hbm, idx_v, *rest):
    bufs = rest[:_NBUF]
    gsems = rest[_NBUF:2 * _NBUF]
    ssems = rest[2 * _NBUF:3 * _NBUF]
    wid = lax.axis_index("s") * _NCORES + lax.axis_index("c")
    base = wid * _RPW
    pltpu.sync_copy(idx_hbm.at[pl.ds(base, _RPW)], idx_v)
    nch = _RPW // _CH
    g = [None] * nch
    st = [None] * nch

    def start_gather(j):
        g[j] = pltpu.async_copy(
            x_hbm.at[idx_v.at[pl.ds(j * _CH, _CH)]],
            bufs[j % _NBUF], gsems[j % _NBUF])

    for j in range(min(_NBUF - 1, nch)):
        start_gather(j)
    for i in range(nch):
        g[i].wait()
        st[i] = pltpu.async_copy(
            bufs[i % _NBUF], out_hbm.at[pl.ds(base + i * _CH, _CH)],
            ssems[i % _NBUF])
        j = i + _NBUF - 1
        if j < nch:
            if j - _NBUF >= 0:
                st[j - _NBUF].wait()
            start_gather(j)
    for i in range(nch):
        if st[i] is not None and i >= nch - _NBUF:
            st[i].wait()


def _sc_gather(x_path, gather_idx):
    gathered = pl.kernel(
        _sc_gather_body,
        out_type=jax.ShapeDtypeStruct((_TOT, _D_IN), jnp.float32),
        mesh=plsc.VectorSubcoreMesh(core_axis_name="c", subcore_axis_name="s"),
        scratch_types=(
            [pltpu.VMEM((_RPW,), jnp.int32)]
            + [pltpu.VMEM((_CH, _D_IN), jnp.float32) for _ in range(_NBUF)]
            + [pltpu.SemaphoreType.DMA for _ in range(2 * _NBUF)]
        ),
    )
    return gathered(x_path, gather_idx)


def _expert_body(e_ref, qb_ref, lo_ref, hi_ref, x_ref, w1_ref, b1_ref, w2_ref,
                 b2_ref, out_ref):
    b = pl.program_id(0)
    ii = lax.broadcasted_iota(jnp.int32, (1, _B), 1)
    mask = ((ii >= lo_ref[b]) & (ii < hi_ref[b])).astype(jnp.float32)
    hb = _B // 2
    psums = []
    for h in range(2):
        xh = x_ref[pl.ds(h * hb, hb), :]
        h1 = jnp.dot(xh, w1_ref[0], preferred_element_type=jnp.float32)
        h1 = jnp.maximum(h1 + b1_ref[0], 0.0)
        h2 = jnp.dot(h1, w2_ref[0], preferred_element_type=jnp.float32)
        h2 = jnp.maximum(h2 + b2_ref[0], 0.0)
        psums.append(jnp.dot(mask[:, h * hb:(h + 1) * hb], h2,
                             preferred_element_type=jnp.float32))
    psum = (psums[0] + psums[1])[None]
    first = jnp.logical_or(b == 0, e_ref[b] != e_ref[jnp.maximum(b - 1, 0)])

    @pl.when(first)
    def _():
        out_ref[...] = psum

    @pl.when(jnp.logical_not(first))
    def _():
        out_ref[...] = out_ref[...] + psum


def _expert_sums(e, qb, lo, hi, x_sorted, w1, b1, w2, b2):
    grid_spec = pltpu.PrefetchScalarGridSpec(
        num_scalar_prefetch=4,
        grid=(_NB,),
        in_specs=[
            pl.BlockSpec((_B, _D_IN), lambda b, e_r, qb_r, lo_r, hi_r: (qb_r[b], 0)),
            pl.BlockSpec((1, _D_IN, _D_H), lambda b, e_r, qb_r, lo_r, hi_r: (e_r[b], 0, 0)),
            pl.BlockSpec((1, 1, _D_H), lambda b, e_r, qb_r, lo_r, hi_r: (e_r[b], 0, 0)),
            pl.BlockSpec((1, _D_H, _D_H), lambda b, e_r, qb_r, lo_r, hi_r: (e_r[b], 0, 0)),
            pl.BlockSpec((1, 1, _D_H), lambda b, e_r, qb_r, lo_r, hi_r: (e_r[b], 0, 0)),
        ],
        out_specs=pl.BlockSpec((1, 1, _D_H), lambda b, e_r, qb_r, lo_r, hi_r: (e_r[b], 0, 0)),
    )
    out = pl.pallas_call(
        _expert_body,
        grid_spec=grid_spec,
        out_shape=jax.ShapeDtypeStruct((_NC, 1, _D_H), jnp.float32),
    )(e, qb, lo, hi, x_sorted, w1, b1[:, None, :], w2, b2[:, None, :])
    return out[:, 0, :]


def _head_body(hs_ref, cnt_ref, wf_ref, bf_ref, wa_ref, ba_ref, wb_ref, bb_ref,
               wc_ref, bc_ref, wr_ref, br_ref, wcls_ref, bcls_ref,
               haz_ref, s_ref, y_ref):
    cnt = cnt_ref[...]
    hs = hs_ref[...]
    hmean = jnp.where(cnt > 0.0, hs / jnp.maximum(cnt, 1.0), 0.0)
    hp = jnp.dot(hmean, wf_ref[...], preferred_element_type=jnp.float32)
    hp = jnp.maximum(hp + bf_ref[...], 0.0)
    a = jnp.tanh(jnp.dot(hp, wa_ref[...], preferred_element_type=jnp.float32)
                 + ba_ref[...])
    gz = jnp.dot(hp, wb_ref[...], preferred_element_type=jnp.float32) + bb_ref[...]
    g = 1.0 / (1.0 + jnp.exp(-gz))
    att = jnp.dot(a * g, wc_ref[...], preferred_element_type=jnp.float32) \
        + bc_ref[...]
    att = att - jnp.max(att, axis=0, keepdims=True)
    w = jnp.exp(att)
    w = w / jnp.sum(w, axis=0, keepdims=True)
    h_path = jnp.sum(w * hp, axis=0, keepdims=True)
    h_path = jnp.dot(h_path, wr_ref[...], preferred_element_type=jnp.float32) \
        + br_ref[...]
    h_path = jnp.maximum(h_path, 0.0)
    logits = jnp.dot(h_path, wcls_ref[...], preferred_element_type=jnp.float32) \
        + bcls_ref[...]
    haz = 1.0 / (1.0 + jnp.exp(-logits))
    haz_ref[...] = haz
    tri = (lax.broadcasted_iota(jnp.int32, (_NCLS, _NCLS), 0)
           <= lax.broadcasted_iota(jnp.int32, (_NCLS, _NCLS), 1)).astype(jnp.float32)
    s_ref[...] = jnp.exp(
        jnp.dot(jnp.log(1.0 - haz), tri, preferred_element_type=jnp.float32))
    mx = jnp.max(logits, axis=1, keepdims=True)
    ii = lax.broadcasted_iota(jnp.int32, (1, _NCLS), 1)
    y_ref[...] = jnp.min(jnp.where(logits >= mx, ii, _NCLS), axis=1, keepdims=True)


def _head(hs, cnt, wf, bf, wa, ba, wb, bb, wc, bc, wr, br, wcls, bcls):
    return pl.pallas_call(
        _head_body,
        out_shape=(
            jax.ShapeDtypeStruct((1, _NCLS), jnp.float32),
            jax.ShapeDtypeStruct((1, _NCLS), jnp.float32),
            jax.ShapeDtypeStruct((1, 1), jnp.int32),
        ),
    )(hs, cnt, wf, bf, wa, ba, wb, bb, wc, bc, wr, br, wcls, bcls)


def kernel(x_path, cluster_id, phi_W1, phi_b1, phi_W2, phi_b2, Wf, bf, Wa, ba,
           Wb, bb, Wc, bc, Wr, br, Wcls, bcls):
    cid = cluster_id.astype(jnp.int32)
    counts = jnp.sum(
        cid[None, :] == jnp.arange(_NC, dtype=jnp.int32)[:, None],
        axis=1).astype(jnp.int32)
    perm = jnp.argsort(cid).astype(jnp.int32)

    seg_start = jnp.cumsum(counts) - counts
    seg_end = seg_start + counts
    sb = seg_start // _B
    ebk = jnp.maximum(-(-seg_end // _B), sb + 1)
    pairs_per = ebk - sb
    cump = jnp.cumsum(pairs_per)
    cump_before = cump - pairs_per
    npairs = cump[_NC - 1]

    sidx = jnp.arange(_NB, dtype=jnp.int32)
    e = jnp.minimum(
        jnp.sum((cump[None, :] <= sidx[:, None]).astype(jnp.int32), axis=1),
        _NC - 1).astype(jnp.int32)
    eohi = (e[:, None] == jnp.arange(_NC, dtype=jnp.int32)[None, :]).astype(jnp.int32)
    cump_before_e = jnp.sum(eohi * cump_before[None, :], axis=1)
    sb_e = jnp.sum(eohi * sb[None, :], axis=1)
    st_e = jnp.sum(eohi * seg_start[None, :], axis=1)
    en_e = jnp.sum(eohi * seg_end[None, :], axis=1)
    used = sidx < npairs
    qb = jnp.where(used, sb_e + (sidx - cump_before_e), _NBLK - 1).astype(jnp.int32)
    lo = jnp.where(used, jnp.clip(st_e - qb * _B, 0, _B), 0).astype(jnp.int32)
    hi = jnp.where(used, jnp.clip(en_e - qb * _B, 0, _B), 0).astype(jnp.int32)

    pad = (jnp.arange(_TOT - _N, dtype=jnp.int32) * 7) & 8191
    gather_idx = jnp.concatenate([perm, pad])

    x_sorted = _sc_gather(x_path, gather_idx)
    h_sum = _expert_sums(e, qb, lo, hi, x_sorted, phi_W1, phi_b1, phi_W2, phi_b2)

    cnt_f = counts.astype(jnp.float32)[:, None]
    haz, s, y = _head(
        h_sum, cnt_f, Wf, bf[None, :], Wa, ba[None, :], Wb, bb[None, :],
        Wc, bc[None, :], Wr, br[None, :], Wcls, bcls[None, :])
    return (haz, s, y)

# --- scband reference (transcript-rebuilt; emitter-appended) ---
"""Pipeline reference for scband-mil-cluster-fc-surv-29300266893806 (READ-ONLY COPY).

The authoritative reference and input builder live on the scoring server;
editing this copy changes nothing except your own understanding.
"""

import jax, jax.numpy as jnp
import numpy as np

N = 10000
D_IN = 1024
D_H = 512
D_ATT = 256
N_CLUSTERS = 10
N_CLASSES = 4


def setup_inputs(seed: int = 0) -> dict:
    key = jax.random.key(seed)
    ks = jax.random.split(key, 16)
    s = 0.02
    inp = {}
    inp["x_path"] = jax.random.normal(ks[0], (N, D_IN), dtype=jnp.float32)
    inp["cluster_id"] = jax.random.randint(ks[1], (N,), 0, N_CLUSTERS)
    inp["phi_W1"] = jax.random.normal(ks[2], (N_CLUSTERS, D_IN, D_H), dtype=jnp.float32) * s
    inp["phi_b1"] = jnp.zeros((N_CLUSTERS, D_H), dtype=jnp.float32)
    inp["phi_W2"] = jax.random.normal(ks[3], (N_CLUSTERS, D_H, D_H), dtype=jnp.float32) * s
    inp["phi_b2"] = jnp.zeros((N_CLUSTERS, D_H), dtype=jnp.float32)
    inp["Wf"] = jax.random.normal(ks[4], (D_H, D_H), dtype=jnp.float32) * s
    inp["bf"] = jnp.zeros((D_H,), dtype=jnp.float32)
    inp["Wa"] = jax.random.normal(ks[5], (D_H, D_ATT), dtype=jnp.float32) * s
    inp["ba"] = jnp.zeros((D_ATT,), dtype=jnp.float32)
    inp["Wb"] = jax.random.normal(ks[6], (D_H, D_ATT), dtype=jnp.float32) * s
    inp["bb"] = jnp.zeros((D_ATT,), dtype=jnp.float32)
    inp["Wc"] = jax.random.normal(ks[7], (D_ATT, 1), dtype=jnp.float32) * s
    inp["bc"] = jnp.zeros((1,), dtype=jnp.float32)
    inp["Wr"] = jax.random.normal(ks[8], (D_H, D_ATT), dtype=jnp.float32) * s
    inp["br"] = jnp.zeros((D_ATT,), dtype=jnp.float32)
    inp["Wcls"] = jax.random.normal(ks[9], (D_ATT, N_CLASSES), dtype=jnp.float32) * s
    inp["bcls"] = jnp.zeros((N_CLASSES,), dtype=jnp.float32)
    return inp


def reference(x_path, cluster_id, phi_W1, phi_b1, phi_W2, phi_b2, Wf, bf, Wa, ba, Wb, bb, Wc, bc, Wr, br, Wcls, bcls):
    # per-cluster expert MLP + adaptive avg pool (mean over tokens in cluster)
    hs = []
    for i in range(N_CLUSTERS):
        mask = (cluster_id == i).astype(x_path.dtype)[:, None]
        h = jax.nn.relu(x_path @ phi_W1[i] + phi_b1[i])
        h = jax.nn.relu(h @ phi_W2[i] + phi_b2[i])
        cnt = jnp.sum(mask)
        h_sum = jnp.sum(h * mask, axis=0)
        h_mean = jnp.where(cnt > 0, h_sum / cnt, jnp.zeros((D_H,), dtype=x_path.dtype))
        hs.append(h_mean)
    h_cluster = jnp.stack(hs, axis=0)  # [n_clusters, 512]
    # attention_net: fc + gated attention
    hp = jax.nn.relu(h_cluster @ Wf + bf)
    a = jnp.tanh(hp @ Wa + ba)
    g = jax.nn.sigmoid(hp @ Wb + bb)
    A = ((a * g) @ Wc + bc)  # [n_clusters, 1]
    A = A.T  # [1, n_clusters]
    A = jax.nn.softmax(A, axis=1)
    h_path = A @ hp  # [1, 512]
    h_path = jax.nn.relu(h_path @ Wr + br).squeeze()  # [256]
    logits = (h_path @ Wcls + bcls)[None, :]  # [1, n_classes]
    Y_hat = jax.lax.top_k(logits, 1)[1]
    hazards = jax.nn.sigmoid(logits)
    S = jnp.cumprod(1.0 - hazards, axis=1)
    return (hazards, S, Y_hat)

if __name__ == "__main__":
    import jax
    _d = setup_inputs()
    print(jax.jit(kernel)(*tuple(_d.values())))

</pallas_src>

<mosaic_0001>
#map = affine_map<(d0, d1) -> (0, 0)>
#map1 = affine_map<(d0, d1) -> (0)>
module attributes {stable_mosaic.version = 14 : i64} {
  func.func @_sc_gather_body(%arg0: i32, %arg1: i32, %arg2: memref<10000x1024xf32, #tpu.memory_space<hbm>>, %arg3: memref<10240xi32, #tpu.memory_space<hbm>>, %arg4: memref<10240x1024xf32, #tpu.memory_space<hbm>>, %arg5: memref<320xi32, #tpu.memory_space<vmem>>, %arg6: memref<40x1024xf32, #tpu.memory_space<vmem>>, %arg7: memref<40x1024xf32, #tpu.memory_space<vmem>>, %arg8: memref<40x1024xf32, #tpu.memory_space<vmem>>, %arg9: memref<!tpu.dma_semaphore, #tpu.memory_space<semaphore_mem>>, %arg10: memref<!tpu.dma_semaphore, #tpu.memory_space<semaphore_mem>>, %arg11: memref<!tpu.dma_semaphore, #tpu.memory_space<semaphore_mem>>, %arg12: memref<!tpu.dma_semaphore, #tpu.memory_space<semaphore_mem>>, %arg13: memref<!tpu.dma_semaphore, #tpu.memory_space<semaphore_mem>>, %arg14: memref<!tpu.dma_semaphore, #tpu.memory_space<semaphore_mem>>) attributes {dimension_semantics = [#tpu.dimension_semantics<core_parallel>, #tpu.dimension_semantics<subcore_parallel>], iteration_bounds = array<i64: 2, 16>, scalar_prefetch = 0 : i64, scratch_operands = 10 : i64, tpu.core_type = #tpu.core_type<sc_vector_subcore>, window_params = [{transform_indices = #map}, {transform_indices = #map1}, {transform_indices = #map}]} {
    %mul3A = arith.constant 2 : i32
    %mul3A_0 = arith.muli %arg1, %mul3A : i32
    %add3A = arith.addi %mul3A_0, %arg0 : i32
    %mul3A_1 = arith.constant 320 : i32
    %mul3A_2 = arith.muli %add3A, %mul3A_1 : i32
    "tpu.region"() ({
      %run_scoped3A = tpu.sem_alloc : memref<!tpu.dma_semaphore, #tpu.memory_space<semaphore_mem>>
      %dma_start3A_161 = tpu.memref_slice %arg3[%mul3A_2] : memref<10240xi32, #tpu.memory_space<hbm>> -> memref<320xi32, #tpu.memory_space<hbm>>
      %dma_start3A_162 = tpu.memref_slice %arg3[%mul3A_2] : memref<10240xi32, #tpu.memory_space<hbm>> -> memref<320xi32, #tpu.memory_space<hbm>>
      tpu.enqueue_dma source(%dma_start3A_162 : memref<320xi32, #tpu.memory_space<hbm>>) target(%arg5 : memref<320xi32, #tpu.memory_space<vmem>>) target_semaphore(%run_scoped3A : memref<!tpu.dma_semaphore, #tpu.memory_space<semaphore_mem>>)
      %dma_wait3A_163 = tpu.memref_slice %arg3[%mul3A_2] : memref<10240xi32, #tpu.memory_space<hbm>> -> memref<320xi32, #tpu.memory_space<hbm>>
      %dma_wait3A_164 = tpu.memref_slice %arg3[%mul3A_2] : memref<10240xi32, #tpu.memory_space<hbm>> -> memref<320xi32, #tpu.memory_space<hbm>>
      tpu.wait_dma2 semaphore(%run_scoped3A : memref<!tpu.dma_semaphore, #tpu.memory_space<semaphore_mem>>) src(%dma_wait3A_164 : memref<320xi32, #tpu.memory_space<hbm>>) dst(%arg5 : memref<320xi32, #tpu.memory_space<vmem>>)
      tpu.yield
    }) : () -> ()
    %dma_start3A = arith.constant 0 : i32
    %dma_start3A_3 = tpu.memref_slice %arg5[%dma_start3A] : memref<320xi32, #tpu.memory_space<vmem>> -> memref<40xi32, #tpu.memory_space<vmem>>
    %dma_start3A_4 = arith.constant 0 : i32
    %dma_start3A_5 = arith.constant 0 : i32
    %dma_start3A_6 = tpu.memref_slice %arg2[%dma_start3A_4, %dma_start3A_5] : memref<10000x1024xf32, #tpu.memory_space<hbm>> -> memref<10000x1024xf32, #tpu.memory_space<hbm>>
    tpu.enqueue_indirect_dma source(%dma_start3A_6 : memref<10000x1024xf32, #tpu.memory_space<hbm>>) target(%arg6 : memref<40x1024xf32, #tpu.memory_space<vmem>>) offsets(%dma_start3A_3 : memref<40xi32, #tpu.memory_space<vmem>>) semaphore(%arg9 : memref<!tpu.dma_semaphore, #tpu.memory_space<semaphore_mem>>)
    %dma_start3A_7 = arith.constant 40 : i32
    %dma_start3A_8 = tpu.memref_slice %arg5[%dma_start3A_7] : memref<320xi32, #tpu.memory_space<vmem>> -> memref<40xi32, #tpu.memory_space<vmem>>
    %dma_start3A_9 = arith.constant 0 : i32
    %dma_start3A_10 = arith.constant 0 : i32
    %dma_start3A_11 = tpu.memref_slice %arg2[%dma_start3A_9, %dma_start3A_10] : memref<10000x1024xf32, #tpu.memory_space<hbm>> -> memref<10000x1024xf32, #tpu.memory_space<hbm>>
    tpu.enqueue_indirect_dma source(%dma_start3A_11 : memref<10000x1024xf32, #tpu.memory_space<hbm>>) target(%arg7 : memref<40x1024xf32, #tpu.memory_space<vmem>>) offsets(%dma_start3A_8 : memref<40xi32, #tpu.memory_space<vmem>>) semaphore(%arg10 : memref<!tpu.dma_semaphore, #tpu.memory_space<semaphore_mem>>)
    %dma_wait3A = arith.constant 0 : i32
    %dma_wait3A_12 = tpu.memref_slice %arg5[%dma_wait3A] : memref<320xi32, #tpu.memory_space<vmem>> -> memref<40xi32, #tpu.memory_space<vmem>>
    %dma_wait3A_13 = arith.constant 0 : i32
    %dma_wait3A_14 = arith.constant 0 : i32
    %dma_wait3A_15 = tpu.memref_slice %arg2[%dma_wait3A_13, %dma_wait3A_14] : memref<10000x1024xf32, #tpu.memory_space<hbm>> -> memref<10000x1024xf32, #tpu.memory_space<hbm>>
    tpu.wait_indirect_dma semaphore(%arg9 : memref<!tpu.dma_semaphore, #tpu.memory_space<semaphore_mem>>) src(%dma_wait3A_15 : memref<10000x1024xf32, #tpu.memory_space<hbm>>) dst(%arg6 : memref<40x1024xf32, #tpu.memory_space<vmem>>)
    %add3A_16 = arith.constant 0 : i32
    %add3A_17 = arith.addi %mul3A_2, %add3A_16 : i32
    %dma_start3A_18 = arith.constant 0 : i32
    %dma_start3A_19 = tpu.memref_slice %arg4[%add3A_17, %dma_start3A_18] : memref<10240x1024xf32, #tpu.memory_space<hbm>> -> memref<40x1024xf32, #tpu.memory_space<hbm>>
    %dma_start3A_20 = arith.constant 0 : i32
    %dma_start3A_21 = tpu.memref_slice %arg4[%add3A_17, %dma_start3A_20] : memref<10240x1024xf32, #tpu.memory_space<hbm>> -> memref<40x1024xf32, #tpu.memory_space<hbm>>
    tpu.enqueue_dma source(%arg6 : memref<40x1024xf32, #tpu.memory_space<vmem>>) target(%dma_start3A_21 : memref<40x1024xf32, #tpu.memory_space<hbm>>) target_semaphore(%arg12 : memref<!tpu.dma_semaphore, #tpu.memory_space<semaphore_mem>>)
    %dma_start3A_22 = arith.constant 80 : i32
    %dma_start3A_23 = tpu.memref_slice %arg5[%dma_start3A_22] : memref<320xi32, #tpu.memory_space<vmem>> -> memref<40xi32, #tpu.memory_space<vmem>>
    %dma_start3A_24 = arith.constant 0 : i32
    %dma_start3A_25 = arith.constant 0 : i32
    %dma_start3A_26 = tpu.memref_slice %arg2[%dma_start3A_24, %dma_start3A_25] : memref<10000x1024xf32, #tpu.memory_space<hbm>> -> memref<10000x1024xf32, #tpu.memory_space<hbm>>
    tpu.enqueue_indirect_dma source(%dma_start3A_26 : memref<10000x1024xf32, #tpu.memory_space<hbm>>) target(%arg8 : memref<40x1024xf32, #tpu.memory_space<vmem>>) offsets(%dma_start3A_23 : memref<40xi32, #tpu.memory_space<vmem>>) semaphore(%arg11 : memref<!tpu.dma_semaphore, #tpu.memory_space<semaphore_mem>>)
    %dma_wait3A_27 = arith.constant 40 : i32
    %dma_wait3A_28 = tpu.memref_slice %arg5[%dma_wait3A_27] : memref<320xi32, #tpu.memory_space<vmem>> -> memref<40xi32, #tpu.memory_space<vmem>>
    %dma_wait3A_29 = arith.constant 0 : i32
    %dma_wait3A_30 = arith.constant 0 : i32
    %dma_wait3A_31 = tpu.memref_slice %arg2[%dma_wait3A_29, %dma_wait3A_30] : memref<10000x1024xf32, #tpu.memory_space<hbm>> -> memref<10000x1024xf32, #tpu.memory_space<hbm>>
    tpu.wait_indirect_dma semaphore(%arg10 : memref<!tpu.dma_semaphore, #tpu.memory_space<semaphore_mem>>) src(%dma_wait3A_31 : memref<10000x1024xf32, #tpu.memory_space<hbm>>) dst(%arg7 : memref<40x1024xf32, #tpu.memory_space<vmem>>)
    %add3A_32 = arith.constant 40 : i32
    %add3A_33 = arith.addi %mul3A_2, %add3A_32 : i32
    %dma_start3A_34 = arith.constant 0 : i32
    %dma_start3A_35 = tpu.memref_slice %arg4[%add3A_33, %dma_start3A_34] : memref<10240x1024xf32, #tpu.memory_space<hbm>> -> memref<40x1024xf32, #tpu.memory_space<hbm>>
    %dma_start3A_36 = arith.constant 0 : i32
    %dma_start3A_37 = tpu.memref_slice %arg4[%add3A_33, %dma_start3A_36] : memref<10240x1024xf32, #tpu.memory_space<hbm>> -> memref<40x1024xf32, #tpu.memory_space<hbm>>
    tpu.enqueue_dma source(%arg7 : memref<40x1024xf32, #tpu.memory_space<vmem>>) target(%dma_start3A_37 : memref<40x1024xf32, #tpu.memory_space<hbm>>) target_semaphore(%arg13 : memref<!tpu.dma_semaphore, #tpu.memory_space<semaphore_mem>>)
    %dma_wait3A_38 = arith.constant 0 : i32
    %dma_wait3A_39 = tpu.memref_slice %arg4[%add3A_17, %dma_wait3A_38] : memref<10240x1024xf32, #tpu.memory_space<hbm>> -> memref<40x1024xf32, #tpu.memory_space<hbm>>
    %dma_wait3A_40 = arith.constant 0 : i32
    %dma_wait3A_41 = tpu.memref_slice %arg4[%add3A_17, %dma_wait3A_40] : memref<10240x1024xf32, #tpu.memory_space<hbm>> -> memref<40x1024xf32, #tpu.memory_space<hbm>>
    tpu.wait_dma2 semaphore(%arg12 : memref<!tpu.dma_semaphore, #tpu.memory_space<semaphore_mem>>) src(%arg6 : memref<40x1024xf32, #tpu.memory_space<vmem>>) dst(%dma_wait3A_41 : memref<40x1024xf32, #tpu.memory_space<hbm>>)
    %dma_start3A_42 = arith.constant 120 : i32
    %dma_start3A_43 = tpu.memref_slice %arg5[%dma_start3A_42] : memref<320xi32, #tpu.memory_space<vmem>> -> memref<40xi32, #tpu.memory_space<vmem>>
    %dma_start3A_44 = arith.constant 0 : i32
    %dma_start3A_45 = arith.constant 0 : i32
    %dma_start3A_46 = tpu.memref_slice %arg2[%dma_start3A_44, %dma_start3A_45] : memref<10000x1024xf32, #tpu.memory_space<hbm>> -> memref<10000x1024xf32, #tpu.memory_space<hbm>>
    tpu.enqueue_indirect_dma source(%dma_start3A_46 : memref<10000x1024xf32, #tpu.memory_space<hbm>>) target(%arg6 : memref<40x1024xf32, #tpu.memory_space<vmem>>) offsets(%dma_start3A_43 : memref<40xi32, #tpu.memory_space<vmem>>) semaphore(%arg9 : memref<!tpu.dma_semaphore, #tpu.memory_space<semaphore_mem>>)
    %dma_wait3A_47 = arith.constant 80 : i32
    %dma_wait3A_48 = tpu.memref_slice %arg5[%dma_wait3A_47] : memref<320xi32, #tpu.memory_space<vmem>> -> memref<40xi32, #tpu.memory_space<vmem>>
    %dma_wait3A_49 = arith.constant 0 : i32
    %dma_wait3A_50 = arith.constant 0 : i32
    %dma_wait3A_51 = tpu.memref_slice %arg2[%dma_wait3A_49, %dma_wait3A_50] : memref<10000x1024xf32, #tpu.memory_space<hbm>> -> memref<10000x1024xf32, #tpu.memory_space<hbm>>
    tpu.wait_indirect_dma semaphore(%arg11 : memref<!tpu.dma_semaphore, #tpu.memory_space<semaphore_mem>>) src(%dma_wait3A_51 : memref<10000x1024xf32, #tpu.memory_space<hbm>>) dst(%arg8 : memref<40x1024xf32, #tpu.memory_space<vmem>>)
    %add3A_52 = arith.constant 80 : i32
    %add3A_53 = arith.addi %mul3A_2, %add3A_52 : i32
    %dma_start3A_54 = arith.constant 0 : i32
    %dma_start3A_55 = tpu.memref_slice %arg4[%add3A_53, %dma_start3A_54] : memref<10240x1024xf32, #tpu.memory_space<hbm>> -> memref<40x1024xf32, #tpu.memory_space<hbm>>
    %dma_start3A_56 = arith.constant 0 : i32
    %dma_start3A_57 = tpu.memref_slice %arg4[%add3A_53, %dma_start3A_56] : memref<10240x1024xf32, #tpu.memory_space<hbm>> -> memref<40x1024xf32, #tpu.memory_space<hbm>>
    tpu.enqueue_dma source(%arg8 : memref<40x1024xf32, #tpu.memory_space<vmem>>) target(%dma_start3A_57 : memref<40x1024xf32, #tpu.memory_space<hbm>>) target_semaphore(%arg14 : memref<!tpu.dma_semaphore, #tpu.memory_space<semaphore_mem>>)
    %dma_wait3A_58 = arith.constant 0 : i32
    %dma_wait3A_59 = tpu.memref_slice %arg4[%add3A_33, %dma_wait3A_58] : memref<10240x1024xf32, #tpu.memory_space<hbm>> -> memref<40x1024xf32, #tpu.memory_space<hbm>>
    %dma_wait3A_60 = arith.constant 0 : i32
    %dma_wait3A_61 = tpu.memref_slice %arg4[%add3A_33, %dma_wait3A_60] : memref<10240x1024xf32, #tpu.memory_space<hbm>> -> memref<40x1024xf32, #tpu.memory_space<hbm>>
    tpu.wait_dma2 semaphore(%arg13 : memref<!tpu.dma_semaphore, #tpu.memory_space<semaphore_mem>>) src(%arg7 : memref<40x1024xf32, #tpu.memory_space<vmem>>) dst(%dma_wait3A_61 : memref<40x1024xf32, #tpu.memory_space<hbm>>)
    %dma_start3A_62 = arith.constant 160 : i32
    %dma_start3A_63 = tpu.memref_slice %arg5[%dma_start3A_62] : memref<320xi32, #tpu.memory_space<vmem>> -> memref<40xi32, #tpu.memory_space<vmem>>
    %dma_start3A_64 = arith.constant 0 : i32
    %dma_start3A_65 = arith.constant 0 : i32
    %dma_start3A_66 = tpu.memref_slice %arg2[%dma_start3A_64, %dma_start3A_65] : memref<10000x1024xf32, #tpu.memory_space<hbm>> -> memref<10000x1024xf32, #tpu.memory_space<hbm>>
    tpu.enqueue_indirect_dma source(%dma_start3A_66 : memref<10000x1024xf32, #tpu.memory_space<hbm>>) target(%arg7 : memref<40x1024xf32, #tpu.memory_space<vmem>>) offsets(%dma_start3A_63 : memref<40xi32, #tpu.memory_space<vmem>>) semaphore(%arg10 : memref<!tpu.dma_semaphore, #tpu.memory_space<semaphore_mem>>)
    %dma_wait3A_67 = arith.constant 120 : i32
    %dma_wait3A_68 = tpu.memref_slice %arg5[%dma_wait3A_67] : memref<320xi32, #tpu.memory_space<vmem>> -> memref<40xi32, #tpu.memory_space<vmem>>
    %dma_wait3A_69 = arith.constant 0 : i32
    %dma_wait3A_70 = arith.constant 0 : i32
    %dma_wait3A_71 = tpu.memref_slice %arg2[%dma_wait3A_69, %dma_wait3A_70] : memref<10000x1024xf32, #tpu.memory_space<hbm>> -> memref<10000x1024xf32, #tpu.memory_space<hbm>>
    tpu.wait_indirect_dma semaphore(%arg9 : memref<!tpu.dma_semaphore, #tpu.memory_space<semaphore_mem>>) src(%dma_wait3A_71 : memref<10000x1024xf32, #tpu.memory_space<hbm>>) dst(%arg6 : memref<40x1024xf32, #tpu.memory_space<vmem>>)
    %add3A_72 = arith.constant 120 : i32
    %add3A_73 = arith.addi %mul3A_2, %add3A_72 : i32
    %dma_start3A_74 = arith.constant 0 : i32
    %dma_start3A_75 = tpu.memref_slice %arg4[%add3A_73, %dma_start3A_74] : memref<10240x1024xf32, #tpu.memory_space<hbm>> -> memref<40x1024xf32, #tpu.memory_space<hbm>>
    %dma_start3A_76 = arith.constant 0 : i32
    %dma_start3A_77 = tpu.memref_slice %arg4[%add3A_73, %dma_start3A_76] : memref<10240x1024xf32, #tpu.memory_space<hbm>> -> memref<40x1024xf32, #tpu.memory_space<hbm>>
    tpu.enqueue_dma source(%arg6 : memref<40x1024xf32, #tpu.memory_space<vmem>>) target(%dma_start3A_77 : memref<40x1024xf32, #tpu.memory_space<hbm>>) target_semaphore(%arg12 : memref<!tpu.dma_semaphore, #tpu.memory_space<semaphore_mem>>)
    %dma_wait3A_78 = arith.constant 0 : i32
    %dma_wait3A_79 = tpu.memref_slice %arg4[%add3A_53, %dma_wait3A_78] : memref<10240x1024xf32, #tpu.memory_space<hbm>> -> memref<40x1024xf32, #tpu.memory_space<hbm>>
    %dma_wait3A_80 = arith.constant 0 : i32
    %dma_wait3A_81 = tpu.memref_slice %arg4[%add3A_53, %dma_wait3A_80] : memref<10240x1024xf32, #tpu.memory_space<hbm>> -> memref<40x1024xf32, #tpu.memory_space<hbm>>
    tpu.wait_dma2 semaphore(%arg14 : memref<!tpu.dma_semaphore, #tpu.memory_space<semaphore_mem>>) src(%arg8 : memref<40x1024xf32, #tpu.memory_space<vmem>>) dst(%dma_wait3A_81 : memref<40x1024xf32, #tpu.memory_space<hbm>>)
    %dma_start3A_82 = arith.constant 200 : i32
    %dma_start3A_83 = tpu.memref_slice %arg5[%dma_start3A_82] : memref<320xi32, #tpu.memory_space<vmem>> -> memref<40xi32, #tpu.memory_space<vmem>>
    %dma_start3A_84 = arith.constant 0 : i32
    %dma_start3A_85 = arith.constant 0 : i32
    %dma_start3A_86 = tpu.memref_slice %arg2[%dma_start3A_84, %dma_start3A_85] : memref<10000x1024xf32, #tpu.memory_space<hbm>> -> memref<10000x1024xf32, #tpu.memory_space<hbm>>
    tpu.enqueue_indirect_dma source(%dma_start3A_86 : memref<10000x1024xf32, #tpu.memory_space<hbm>>) target(%arg8 : memref<40x1024xf32, #tpu.memory_space<vmem>>) offsets(%dma_start3A_83 : memref<40xi32, #tpu.memory_space<vmem>>) semaphore(%arg11 : memref<!tpu.dma_semaphore, #tpu.memory_space<semaphore_mem>>)
    %dma_wait3A_87 = arith.constant 160 : i32
    %dma_wait3A_88 = tpu.memref_slice %arg5[%dma_wait3A_87] : memref<320xi32, #tpu.memory_space<vmem>> -> memref<40xi32, #tpu.memory_space<vmem>>
    %dma_wait3A_89 = arith.constant 0 : i32
    %dma_wait3A_90 = arith.constant 0 : i32
    %dma_wait3A_91 = tpu.memref_slice %arg2[%dma_wait3A_89, %dma_wait3A_90] : memref<10000x1024xf32, #tpu.memory_space<hbm>> -> memref<10000x1024xf32, #tpu.memory_space<hbm>>
    tpu.wait_indirect_dma semaphore(%arg10 : memref<!tpu.dma_semaphore, #tpu.memory_space<semaphore_mem>>) src(%dma_wait3A_91 : memref<10000x1024xf32, #tpu.memory_space<hbm>>) dst(%arg7 : memref<40x1024xf32, #tpu.memory_space<vmem>>)
    %add3A_92 = arith.constant 160 : i32
    %add3A_93 = arith.addi %mul3A_2, %add3A_92 : i32
    %dma_start3A_94 = arith.constant 0 : i32
    %dma_start3A_95 = tpu.memref_slice %arg4[%add3A_93, %dma_start3A_94] : memref<10240x1024xf32, #tpu.memory_space<hbm>> -> memref<40x1024xf32, #tpu.memory_space<hbm>>
    %dma_start3A_96 = arith.constant 0 : i32
    %dma_start3A_97 = tpu.memref_slice %arg4[%add3A_93, %dma_start3A_96] : memref<10240x1024xf32, #tpu.memory_space<hbm>> -> memref<40x1024xf32, #tpu.memory_space<hbm>>
    tpu.enqueue_dma source(%arg7 : memref<40x1024xf32, #tpu.memory_space<vmem>>) target(%dma_start3A_97 : memref<40x1024xf32, #tpu.memory_space<hbm>>) target_semaphore(%arg13 : memref<!tpu.dma_semaphore, #tpu.memory_space<semaphore_mem>>)
    %dma_wait3A_98 = arith.constant 0 : i32
    %dma_wait3A_99 = tpu.memref_slice %arg4[%add3A_73, %dma_wait3A_98] : memref<10240x1024xf32, #tpu.memory_space<hbm>> -> memref<40x1024xf32, #tpu.memory_space<hbm>>
    %dma_wait3A_100 = arith.constant 0 : i32
    %dma_wait3A_101 = tpu.memref_slice %arg4[%add3A_73, %dma_wait3A_100] : memref<10240x1024xf32, #tpu.memory_space<hbm>> -> memref<40x1024xf32, #tpu.memory_space<hbm>>
    tpu.wait_dma2 semaphore(%arg12 : memref<!tpu.dma_semaphore, #tpu.memory_space<semaphore_mem>>) src(%arg6 : memref<40x1024xf32, #tpu.memory_space<vmem>>) dst(%dma_wait3A_101 : memref<40x1024xf32, #tpu.memory_space<hbm>>)
    %dma_start3A_102 = arith.constant 240 : i32
    %dma_start3A_103 = tpu.memref_slice %arg5[%dma_start3A_102] : memref<320xi32, #tpu.memory_space<vmem>> -> memref<40xi32, #tpu.memory_space<vmem>>
    %dma_start3A_104 = arith.constant 0 : i32
    %dma_start3A_105 = arith.constant 0 : i32
    %dma_start3A_106 = tpu.memref_slice %arg2[%dma_start3A_104, %dma_start3A_105] : memref<10000x1024xf32, #tpu.memory_space<hbm>> -> memref<10000x1024xf32, #tpu.memory_space<hbm>>
    tpu.enqueue_indirect_dma source(%dma_start3A_106 : memref<10000x1024xf32, #tpu.memory_space<hbm>>) target(%arg6 : memref<40x1024xf32, #tpu.memory_space<vmem>>) offsets(%dma_start3A_103 : memref<40xi32, #tpu.memory_space<vmem>>) semaphore(%arg9 : memref<!tpu.dma_semaphore, #tpu.memory_space<semaphore_mem>>)
    %dma_wait3A_107 = arith.constant 200 : i32
    %dma_wait3A_108 = tpu.memref_slice %arg5[%dma_wait3A_107] : memref<320xi32, #tpu.memory_space<vmem>> -> memref<40xi32, #tpu.memory_space<vmem>>
    %dma_wait3A_109 = arith.constant 0 : i32
    %dma_wait3A_110 = arith.constant 0 : i32
    %dma_wait3A_111 = tpu.memref_slice %arg2[%dma_wait3A_109, %dma_wait3A_110] : memref<10000x1024xf32, #tpu.memory_space<hbm>> -> memref<10000x1024xf32, #tpu.memory_space<hbm>>
    tpu.wait_indirect_dma semaphore(%arg11 : memref<!tpu.dma_semaphore, #tpu.memory_space<semaphore_mem>>) src(%dma_wait3A_111 : memref<10000x1024xf32, #tpu.memory_space<hbm>>) dst(%arg8 : memref<40x1024xf32, #tpu.memory_space<vmem>>)
    %add3A_112 = arith.constant 200 : i32
    %add3A_113 = arith.addi %mul3A_2, %add3A_112 : i32
    %dma_start3A_114 = arith.constant 0 : i32
    %dma_start3A_115 = tpu.memref_slice %arg4[%add3A_113, %dma_start3A_114] : memref<10240x1024xf32, #tpu.memory_space<hbm>> -> memref<40x1024xf32, #tpu.memory_space<hbm>>
    %dma_start3A_116 = arith.constant 0 : i32
    %dma_start3A_117 = tpu.memref_slice %arg4[%add3A_113, %dma_start3A_116] : memref<10240x1024xf32, #tpu.memory_space<hbm>> -> memref<40x1024xf32, #tpu.memory_space<hbm>>
    tpu.enqueue_dma source(%arg8 : memref<40x1024xf32, #tpu.memory_space<vmem>>) target(%dma_start3A_117 : memref<40x1024xf32, #tpu.memory_space<hbm>>) target_semaphore(%arg14 : memref<!tpu.dma_semaphore, #tpu.memory_space<semaphore_mem>>)
    %dma_wait3A_118 = arith.constant 0 : i32
    %dma_wait3A_119 = tpu.memref_slice %arg4[%add3A_93, %dma_wait3A_118] : memref<10240x1024xf32, #tpu.memory_space<hbm>> -> memref<40x1024xf32, #tpu.memory_space<hbm>>
    %dma_wait3A_120 = arith.constant 0 : i32
    %dma_wait3A_121 = tpu.memref_slice %arg4[%add3A_93, %dma_wait3A_120] : memref<10240x1024xf32, #tpu.memory_space<hbm>> -> memref<40x1024xf32, #tpu.memory_space<hbm>>
    tpu.wait_dma2 semaphore(%arg13 : memref<!tpu.dma_semaphore, #tpu.memory_space<semaphore_mem>>) src(%arg7 : memref<40x1024xf32, #tpu.memory_space<vmem>>) dst(%dma_wait3A_121 : memref<40x1024xf32, #tpu.memory_space<hbm>>)
    %dma_start3A_122 = arith.constant 280 : i32
    %dma_start3A_123 = tpu.memref_slice %arg5[%dma_start3A_122] : memref<320xi32, #tpu.memory_space<vmem>> -> memref<40xi32, #tpu.memory_space<vmem>>
    %dma_start3A_124 = arith.constant 0 : i32
    %dma_start3A_125 = arith.constant 0 : i32
    %dma_start3A_126 = tpu.memref_slice %arg2[%dma_start3A_124, %dma_start3A_125] : memref<10000x1024xf32, #tpu.memory_space<hbm>> -> memref<10000x1024xf32, #tpu.memory_space<hbm>>
    tpu.enqueue_indirect_dma source(%dma_start3A_126 : memref<10000x1024xf32, #tpu.memory_space<hbm>>) target(%arg7 : memref<40x1024xf32, #tpu.memory_space<vmem>>) offsets(%dma_start3A_123 : memref<40xi32, #tpu.memory_space<vmem>>) semaphore(%arg10 : memref<!tpu.dma_semaphore, #tpu.memory_space<semaphore_mem>>)
    %dma_wait3A_127 = arith.constant 240 : i32
    %dma_wait3A_128 = tpu.memref_slice %arg5[%dma_wait3A_127] : memref<320xi32, #tpu.memory_space<vmem>> -> memref<40xi32, #tpu.memory_space<vmem>>
    %dma_wait3A_129 = arith.constant 0 : i32
    %dma_wait3A_130 = arith.constant 0 : i32
    %dma_wait3A_131 = tpu.memref_slice %arg2[%dma_wait3A_129, %dma_wait3A_130] : memref<10000x1024xf32, #tpu.memory_space<hbm>> -> memref<10000x1024xf32, #tpu.memory_space<hbm>>
    tpu.wait_indirect_dma semaphore(%arg9 : memref<!tpu.dma_semaphore, #tpu.memory_space<semaphore_mem>>) src(%dma_wait3A_131 : memref<10000x1024xf32, #tpu.memory_space<hbm>>) dst(%arg6 : memref<40x1024xf32, #tpu.memory_space<vmem>>)
    %add3A_132 = arith.constant 240 : i32
    %add3A_133 = arith.addi %mul3A_2, %add3A_132 : i32
    %dma_start3A_134 = arith.constant 0 : i32
    %dma_start3A_135 = tpu.memref_slice %arg4[%add3A_133, %dma_start3A_134] : memref<10240x1024xf32, #tpu.memory_space<hbm>> -> memref<40x1024xf32, #tpu.memory_space<hbm>>
    %dma_start3A_136 = arith.constant 0 : i32
    %dma_start3A_137 = tpu.memref_slice %arg4[%add3A_133, %dma_start3A_136] : memref<10240x1024xf32, #tpu.memory_space<hbm>> -> memref<40x1024xf32, #tpu.memory_space<hbm>>
    tpu.enqueue_dma source(%arg6 : memref<40x1024xf32, #tpu.memory_space<vmem>>) target(%dma_start3A_137 : memref<40x1024xf32, #tpu.memory_space<hbm>>) target_semaphore(%arg12 : memref<!tpu.dma_semaphore, #tpu.memory_space<semaphore_mem>>)
    %dma_wait3A_138 = arith.constant 280 : i32
    %dma_wait3A_139 = tpu.memref_slice %arg5[%dma_wait3A_138] : memref<320xi32, #tpu.memory_space<vmem>> -> memref<40xi32, #tpu.memory_space<vmem>>
    %dma_wait3A_140 = arith.constant 0 : i32
    %dma_wait3A_141 = arith.constant 0 : i32
    %dma_wait3A_142 = tpu.memref_slice %arg2[%dma_wait3A_140, %dma_wait3A_141] : memref<10000x1024xf32, #tpu.memory_space<hbm>> -> memref<10000x1024xf32, #tpu.memory_space<hbm>>
    tpu.wait_indirect_dma semaphore(%arg10 : memref<!tpu.dma_semaphore, #tpu.memory_space<semaphore_mem>>) src(%dma_wait3A_142 : memref<10000x1024xf32, #tpu.memory_space<hbm>>) dst(%arg7 : memref<40x1024xf32, #tpu.memory_space<vmem>>)
    %add3A_143 = arith.constant 280 : i32
    %add3A_144 = arith.addi %mul3A_2, %add3A_143 : i32
    %dma_start3A_145 = arith.constant 0 : i32
    %dma_start3A_146 = tpu.memref_slice %arg4[%add3A_144, %dma_start3A_145] : memref<10240x1024xf32, #tpu.memory_space<hbm>> -> memref<40x1024xf32, #tpu.memory_space<hbm>>
    %dma_start3A_147 = arith.constant 0 : i32
    %dma_start3A_148 = tpu.memref_slice %arg4[%add3A_144, %dma_start3A_147] : memref<10240x1024xf32, #tpu.memory_space<hbm>> -> memref<40x1024xf32, #tpu.memory_space<hbm>>
    tpu.enqueue_dma source(%arg7 : memref<40x1024xf32, #tpu.memory_space<vmem>>) target(%dma_start3A_148 : memref<40x1024xf32, #tpu.memory_space<hbm>>) target_semaphore(%arg13 : memref<!tpu.dma_semaphore, #tpu.memory_space<semaphore_mem>>)
    %dma_wait3A_149 = arith.constant 0 : i32
    %dma_wait3A_150 = tpu.memref_slice %arg4[%add3A_113, %dma_wait3A_149] : memref<10240x1024xf32, #tpu.memory_space<hbm>> -> memref<40x1024xf32, #tpu.memory_space<hbm>>
    %dma_wait3A_151 = arith.constant 0 : i32
    %dma_wait3A_152 = tpu.memref_slice %arg4[%add3A_113, %dma_wait3A_151] : memref<10240x1024xf32, #tpu.memory_space<hbm>> -> memref<40x1024xf32, #tpu.memory_space<hbm>>
    tpu.wait_dma2 semaphore(%arg14 : memref<!tpu.dma_semaphore, #tpu.memory_space<semaphore_mem>>) src(%arg8 : memref<40x1024xf32, #tpu.memory_space<vmem>>) dst(%dma_wait3A_152 : memref<40x1024xf32, #tpu.memory_space<hbm>>)
    %dma_wait3A_153 = arith.constant 0 : i32
    %dma_wait3A_154 = tpu.memref_slice %arg4[%add3A_133, %dma_wait3A_153] : memref<10240x1024xf32, #tpu.memory_space<hbm>> -> memref<40x1024xf32, #tpu.memory_space<hbm>>
    %dma_wait3A_155 = arith.constant 0 : i32
    %dma_wait3A_156 = tpu.memref_slice %arg4[%add3A_133, %dma_wait3A_155] : memref<10240x1024xf32, #tpu.memory_space<hbm>> -> memref<40x1024xf32, #tpu.memory_space<hbm>>
    tpu.wait_dma2 semaphore(%arg12 : memref<!tpu.dma_semaphore, #tpu.memory_space<semaphore_mem>>) src(%arg6 : memref<40x1024xf32, #tpu.memory_space<vmem>>) dst(%dma_wait3A_156 : memref<40x1024xf32, #tpu.memory_space<hbm>>)
    %dma_wait3A_157 = arith.constant 0 : i32
    %dma_wait3A_158 = tpu.memref_slice %arg4[%add3A_144, %dma_wait3A_157] : memref<10240x1024xf32, #tpu.memory_space<hbm>> -> memref<40x1024xf32, #tpu.memory_space<hbm>>
    %dma_wait3A_159 = arith.constant 0 : i32
    %dma_wait3A_160 = tpu.memref_slice %arg4[%add3A_144, %dma_wait3A_159] : memref<10240x1024xf32, #tpu.memory_space<hbm>> -> memref<40x1024xf32, #tpu.memory_space<hbm>>
    tpu.wait_dma2 semaphore(%arg13 : memref<!tpu.dma_semaphore, #tpu.memory_space<semaphore_mem>>) src(%arg7 : memref<40x1024xf32, #tpu.memory_space<vmem>>) dst(%dma_wait3A_160 : memref<40x1024xf32, #tpu.memory_space<hbm>>)
    return
  }
}

module attributes {stable_mosaic.version = 14 : i64} {
  func.func @_expert_body(%arg0: i32, %arg1: memref<30xi32, #tpu.memory_space<smem>>, %arg2: memref<30xi32, #tpu.memory_space<smem>>, %arg3: memref<30xi32, #tpu.memory_space<smem>>, %arg4: memref<30xi32, #tpu.memory_space<smem>>, %arg5: memref<512x1024xf32, #tpu.memory_space<vmem>>, %arg6: memref<1x1024x512xf32, #tpu.memory_space<vmem>>, %arg7: memref<1x1x512xf32, #tpu.memory_space<vmem>>, %arg8: memref<1x512x512xf32, #tpu.memory_space<vmem>>, %arg9: memref<1x1x512xf32, #tpu.memory_space<vmem>>, %arg10: memref<1x1x512xf32, #tpu.memory_space<vmem>>) attributes {dimension_semantics = [#tpu.dimension_semantics<arbitrary>], iteration_bounds = array<i64: 30>, scalar_prefetch = 4 : i64, scratch_operands = 0 : i64, tpu.core_type = #tpu.core_type<tc>, window_params = [{transform_indices = @transform_0, window_bounds = array<i64: 512, 1024>}, {transform_indices = @transform_1, window_bounds = array<i64: 1, 1024, 512>}, {transform_indices = @transform_2, window_bounds = array<i64: 1, 1, 512>}, {transform_indices = @transform_3, window_bounds = array<i64: 1, 512, 512>}, {transform_indices = @transform_4, window_bounds = array<i64: 1, 1, 512>}, {transform_indices = @transform_5, window_bounds = array<i64: 1, 1, 512>}]} {
    %iota3A = tpu.iota {dimensions = array<i32: 1>} : vector<1x512xi32>
    %get3A = arith.index_cast %arg0 : i32 to index
    %get3A_0 = memref.load %arg3[%get3A] : memref<30xi32, #tpu.memory_space<smem>>
    %ge3A = vector.broadcast %get3A_0 : i32 to vector<1x512xi32>
    %ge3A_1 = arith.cmpi sge, %iota3A, %ge3A : vector<1x512xi32>
    %get3A_2 = arith.index_cast %arg0 : i32 to index
    %get3A_3 = memref.load %arg4[%get3A_2] : memref<30xi32, #tpu.memory_space<smem>>
    %lt3A = vector.broadcast %get3A_3 : i32 to vector<1x512xi32>
    %lt3A_4 = arith.cmpi slt, %iota3A, %lt3A : vector<1x512xi32>
    %and3A = arith.andi %ge3A_1, %lt3A_4 : vector<1x512xi1>
    %convert_element_type3A = arith.extui %and3A : vector<1x512xi1> to vector<1x512xi32>
    %convert_element_type3A_5 = arith.sitofp %convert_element_type3A : vector<1x512xi32> to vector<1x512xf32>
    %get3A_6 = arith.constant 0 : index
    %get3A_7 = arith.constant 0 : index
    %get3A_8 = vector.load %arg5[%get3A_6, %get3A_7] : memref<512x1024xf32, #tpu.memory_space<vmem>>, vector<256x1024xf32>
    %get3A_9 = arith.constant 0 : index
    %get3A_10 = arith.constant 0 : index
    %get3A_11 = arith.constant 0 : index
    %get3A_12 = vector.load %arg6[%get3A_9, %get3A_10, %get3A_11] : memref<1x1024x512xf32, #tpu.memory_space<vmem>>, vector<1x1024x512xf32>
    %get3A_13 = vector.shape_cast %get3A_12 : vector<1x1024x512xf32> to vector<1024x512xf32>
    %dot_general3A = arith.constant dense<0.000000e+00> : vector<256x512xf32>
    %dot_general3A_14 = tpu.matmul %get3A_8, %get3A_13, %dot_general3A {dimension_numbers = #tpu.dot_dimension_numbers<[1], [0], [0], [1], [0, 0, 1, 1], [], []>, transpose_lhs_hint = false} : vector<256x1024xf32>, vector<1024x512xf32>, vector<256x512xf32> -> vector<256x512xf32>
    %get3A_15 = arith.constant 0 : index
    %get3A_16 = arith.constant 0 : index
    %get3A_17 = arith.constant 0 : index
    %get3A_18 = vector.load %arg7[%get3A_15, %get3A_16, %get3A_17] : memref<1x1x512xf32, #tpu.memory_space<vmem>>, vector<1x1x512xf32>
    %get3A_19 = vector.shape_cast %get3A_18 : vector<1x1x512xf32> to vector<1x512xf32>
    %add3A = vector.broadcast %get3A_19 : vector<1x512xf32> to vector<256x512xf32>
    %add3A_20 = arith.addf %dot_general3A_14, %add3A : vector<256x512xf32>
    %max3A = arith.constant 0.000000e+00 : f32
    %max3A_21 = vector.broadcast %max3A : f32 to vector<256x512xf32>
    %max3A_22 = arith.maximumf %add3A_20, %max3A_21 : vector<256x512xf32>
    %get3A_23 = arith.constant 0 : index
    %get3A_24 = arith.constant 0 : index
    %get3A_25 = arith.constant 0 : index
    %get3A_26 = vector.load %arg8[%get3A_23, %get3A_24, %get3A_25] : memref<1x512x512xf32, #tpu.memory_space<vmem>>, vector<1x512x512xf32>
    %get3A_27 = vector.shape_cast %get3A_26 : vector<1x512x512xf32> to vector<512x512xf32>
    %dot_general3A_28 = arith.constant dense<0.000000e+00> : vector<256x512xf32>
    %dot_general3A_29 = tpu.matmul %max3A_22, %get3A_27, %dot_general3A_28 {dimension_numbers = #tpu.dot_dimension_numbers<[1], [0], [0], [1], [0, 0, 1, 1], [], []>, transpose_lhs_hint = false} : vector<256x512xf32>, vector<512x512xf32>, vector<256x512xf32> -> vector<256x512xf32>
    %get3A_30 = arith.constant 0 : index
    %get3A_31 = arith.constant 0 : index
    %get3A_32 = arith.constant 0 : index
    %get3A_33 = vector.load %arg9[%get3A_30, %get3A_31, %get3A_32] : memref<1x1x512xf32, #tpu.memory_space<vmem>>, vector<1x1x512xf32>
    %get3A_34 = vector.shape_cast %get3A_33 : vector<1x1x512xf32> to vector<1x512xf32>
    %add3A_35 = vector.broadcast %get3A_34 : vector<1x512xf32> to vector<256x512xf32>
    %add3A_36 = arith.addf %dot_general3A_29, %add3A_35 : vector<256x512xf32>
    %max3A_37 = arith.constant 0.000000e+00 : f32
    %max3A_38 = vector.broadcast %max3A_37 : f32 to vector<256x512xf32>
    %max3A_39 = arith.maximumf %add3A_36, %max3A_38 : vector<256x512xf32>
    %slice3A = vector.extract_strided_slice %convert_element_type3A_5 {offsets = [0, 0], sizes = [1, 256], strides = [1, 1]} : vector<1x512xf32> to vector<1x256xf32>
    %dot_general3A_40 = arith.constant dense<0.000000e+00> : vector<1x512xf32>
    %dot_general3A_41 = tpu.matmul %slice3A, %max3A_39, %dot_general3A_40 {dimension_numbers = #tpu.dot_dimension_numbers<[1], [0], [0], [1], [0, 0, 1, 1], [], []>, transpose_lhs_hint = false} : vector<1x256xf32>, vector<256x512xf32>, vector<1x512xf32> -> vector<1x512xf32>
    %get3A_42 = arith.constant 256 : index
    %get3A_43 = arith.constant 0 : index
    %get3A_44 = vector.load %arg5[%get3A_42, %get3A_43] : memref<512x1024xf32, #tpu.memory_space<vmem>>, vector<256x1024xf32>
    %get3A_45 = arith.constant 0 : index
    %get3A_46 = arith.constant 0 : index
    %get3A_47 = arith.constant 0 : index
    %get3A_48 = vector.load %arg6[%get3A_45, %get3A_46, %get3A_47] : memref<1x1024x512xf32, #tpu.memory_space<vmem>>, vector<1x1024x512xf32>
    %get3A_49 = vector.shape_cast %get3A_48 : vector<1x1024x512xf32> to vector<1024x512xf32>
    %dot_general3A_50 = arith.constant dense<0.000000e+00> : vector<256x512xf32>
    %dot_general3A_51 = tpu.matmul %get3A_44, %get3A_49, %dot_general3A_50 {dimension_numbers = #tpu.dot_dimension_numbers<[1], [0], [0], [1], [0, 0, 1, 1], [], []>, transpose_lhs_hint = false} : vector<256x1024xf32>, vector<1024x512xf32>, vector<256x512xf32> -> vector<256x512xf32>
    %get3A_52 = arith.constant 0 : index
    %get3A_53 = arith.constant 0 : index
    %get3A_54 = arith.constant 0 : index
    %get3A_55 = vector.load %arg7[%get3A_52, %get3A_53, %get3A_54] : memref<1x1x512xf32, #tpu.memory_space<vmem>>, vector<1x1x512xf32>
    %get3A_56 = vector.shape_cast %get3A_55 : vector<1x1x512xf32> to vector<1x512xf32>
    %add3A_57 = vector.broadcast %get3A_56 : vector<1x512xf32> to vector<256x512xf32>
    %add3A_58 = arith.addf %dot_general3A_51, %add3A_57 : vector<256x512xf32>
    %max3A_59 = arith.constant 0.000000e+00 : f32
    %max3A_60 = vector.broadcast %max3A_59 : f32 to vector<256x512xf32>
    %max3A_61 = arith.maximumf %add3A_58, %max3A_60 : vector<256x512xf32>
    %get3A_62 = arith.constant 0 : index
    %get3A_63 = arith.constant 0 : index
    %get3A_64 = arith.constant 0 : index
    %get3A_65 = vector.load %arg8[%get3A_62, %get3A_63, %get3A_64] : memref<1x512x512xf32, #tpu.memory_space<vmem>>, vector<1x512x512xf32>
    %get3A_66 = vector.shape_cast %get3A_65 : vector<1x512x512xf32> to vector<512x512xf32>
    %dot_general3A_67 = arith.constant dense<0.000000e+00> : vector<256x512xf32>
    %dot_general3A_68 = tpu.matmul %max3A_61, %get3A_66, %dot_general3A_67 {dimension_numbers = #tpu.dot_dimension_numbers<[1], [0], [0], [1], [0, 0, 1, 1], [], []>, transpose_lhs_hint = false} : vector<256x512xf32>, vector<512x512xf32>, vector<256x512xf32> -> vector<256x512xf32>
    %get3A_69 = arith.constant 0 : index
    %get3A_70 = arith.constant 0 : index
    %get3A_71 = arith.constant 0 : index
    %get3A_72 = vector.load %arg9[%get3A_69, %get3A_70, %get3A_71] : memref<1x1x512xf32, #tpu.memory_space<vmem>>, vector<1x1x512xf32>
    %get3A_73 = vector.shape_cast %get3A_72 : vector<1x1x512xf32> to vector<1x512xf32>
    %add3A_74 = vector.broadcast %get3A_73 : vector<1x512xf32> to vector<256x512xf32>
    %add3A_75 = arith.addf %dot_general3A_68, %add3A_74 : vector<256x512xf32>
    %max3A_76 = arith.constant 0.000000e+00 : f32
    %max3A_77 = vector.broadcast %max3A_76 : f32 to vector<256x512xf32>
    %max3A_78 = arith.maximumf %add3A_75, %max3A_77 : vector<256x512xf32>
    %slice3A_79 = vector.extract_strided_slice %convert_element_type3A_5 {offsets = [0, 256], sizes = [1, 256], strides = [1, 1]} : vector<1x512xf32> to vector<1x256xf32>
    %dot_general3A_80 = arith.constant dense<0.000000e+00> : vector<1x512xf32>
    %dot_general3A_81 = tpu.matmul %slice3A_79, %max3A_78, %dot_general3A_80 {dimension_numbers = #tpu.dot_dimension_numbers<[1], [0], [0], [1], [0, 0, 1, 1], [], []>, transpose_lhs_hint = false} : vector<1x256xf32>, vector<256x512xf32>, vector<1x512xf32> -> vector<1x512xf32>
    %add3A_82 = arith.addf %dot_general3A_41, %dot_general3A_81 : vector<1x512xf32>
    %broadcast_in_dim3A = vector.shape_cast %add3A_82 : vector<1x512xf32> to vector<1x1x512xf32>
    %eq3A = arith.constant 0 : i32
    %eq3A_83 = arith.cmpi eq, %arg0, %eq3A : i32
    %get3A_84 = arith.index_cast %arg0 : i32 to index
    %get3A_85 = memref.load %arg1[%get3A_84] : memref<30xi32, #tpu.memory_space<smem>>
    %sub3A = arith.constant 1 : i32
    %sub3A_86 = arith.subi %arg0, %sub3A : i32
    %max3A_87 = arith.constant 0 : i32
    %max3A_88 = arith.maxsi %sub3A_86, %max3A_87 : i32
    %get3A_89 = arith.index_cast %max3A_88 : i32 to index
    %get3A_90 = memref.load %arg1[%get3A_89] : memref<30xi32, #tpu.memory_space<smem>>
    %ne3A = arith.cmpi ne, %get3A_85, %get3A_90 : i32
    %or3A = arith.ori %eq3A_83, %ne3A : i1
    %convert_element_type3A_91 = arith.extui %or3A : i1 to i32
    %cond3A = arith.constant 0 : i32
    %cond3A_92 = arith.cmpi ne, %convert_element_type3A_91, %cond3A : i32
    scf.if %cond3A_92 {
      %swap3A = arith.constant 0 : index
      %swap3A_97 = arith.constant 0 : index
      %swap3A_98 = arith.constant 0 : index
      %swap3A_99 = vector.load %arg10[%swap3A, %swap3A_97, %swap3A_98] : memref<1x1x512xf32, #tpu.memory_space<vmem>>, vector<1x1x512xf32>
      tpu.vector_store %arg10[%swap3A, %swap3A_97, %swap3A_98], %broadcast_in_dim3A {strides = array<i32>} : memref<1x1x512xf32, #tpu.memory_space<vmem>>, vector<1x1x512xf32>,
    } else {
    }
    %not3A = arith.constant true
    %not3A_93 = arith.xori %or3A, %not3A : i1
    %convert_element_type3A_94 = arith.extui %not3A_93 : i1 to i32
    %cond3A_95 = arith.constant 0 : i32
    %cond3A_96 = arith.cmpi ne, %convert_element_type3A_94, %cond3A_95 : i32
    scf.if %cond3A_96 {
      %get3A_97 = arith.constant 0 : index
      %get3A_98 = arith.constant 0 : index
      %get3A_99 = arith.constant 0 : index
      %get3A_100 = vector.load %arg10[%get3A_97, %get3A_98, %get3A_99] : memref<1x1x512xf32, #tpu.memory_space<vmem>>, vector<1x1x512xf32>
      %add3A_101 = arith.addf %get3A_100, %broadcast_in_dim3A : vector<1x1x512xf32>
      %swap3A = arith.constant 0 : index
      %swap3A_102 = arith.constant 0 : index
      %swap3A_103 = arith.constant 0 : index
      %swap3A_104 = vector.load %arg10[%swap3A, %swap3A_102, %swap3A_103] : memref<1x1x512xf32, #tpu.memory_space<vmem>>, vector<1x1x512xf32>
      tpu.vector_store %arg10[%swap3A, %swap3A_102, %swap3A_103], %add3A_101 {strides = array<i32>} : memref<1x1x512xf32, #tpu.memory_space<vmem>>, vector<1x1x512xf32>,
    } else {
    }
    return
  }
  func.func @transform_0(%arg0: i32, %arg1: memref<30xi32, #tpu.memory_space<smem>>, %arg2: memref<30xi32, #tpu.memory_space<smem>>, %arg3: memref<30xi32, #tpu.memory_space<smem>>, %arg4: memref<30xi32, #tpu.memory_space<smem>>) -> (i32, i32) {
    %get3A = arith.index_cast %arg0 : i32 to index
    %get3A_0 = memref.load %arg2[%get3A] : memref<30xi32, #tpu.memory_space<smem>>
    %c0_i32 = arith.constant 0 : i32
    %c0_i32_1 = arith.constant 0 : i32
    return %get3A_0, %c0_i32 : i32, i32
  }
  func.func @transform_1(%arg0: i32, %arg1: memref<30xi32, #tpu.memory_space<smem>>, %arg2: memref<30xi32, #tpu.memory_space<smem>>, %arg3: memref<30xi32, #tpu.memory_space<smem>>, %arg4: memref<30xi32, #tpu.memory_space<smem>>) -> (i32, i32, i32) {
    %get3A = arith.index_cast %arg0 : i32 to index
    %get3A_0 = memref.load %arg1[%get3A] : memref<30xi32, #tpu.memory_space<smem>>
    %c0_i32 = arith.constant 0 : i32
    %c0_i32_1 = arith.constant 0 : i32
    %c0_i32_2 = arith.constant 0 : i32
    return %get3A_0, %c0_i32, %c0_i32_1 : i32, i32, i32
  }
  func.func @transform_2(%arg0: i32, %arg1: memref<30xi32, #tpu.memory_space<smem>>, %arg2: memref<30xi32, #tpu.memory_space<smem>>, %arg3: memref<30xi32, #tpu.memory_space<smem>>, %arg4: memref<30xi32, #tpu.memory_space<smem>>) -> (i32, i32, i32) {
    %get3A = arith.index_cast %arg0 : i32 to index
    %get3A_0 = memref.load %arg1[%get3A] : memref<30xi32, #tpu.memory_space<smem>>
    %c0_i32 = arith.constant 0 : i32
    %c0_i32_1 = arith.constant 0 : i32
    %c0_i32_2 = arith.constant 0 : i32
    return %get3A_0, %c0_i32, %c0_i32_1 : i32, i32, i32
  }
  func.func @transform_3(%arg0: i32, %arg1: memref<30xi32, #tpu.memory_space<smem>>, %arg2: memref<30xi32, #tpu.memory_space<smem>>, %arg3: memref<30xi32, #tpu.memory_space<smem>>, %arg4: memref<30xi32, #tpu.memory_space<smem>>) -> (i32, i32, i32) {
    %get3A = arith.index_cast %arg0 : i32 to index
    %get3A_0 = memref.load %arg1[%get3A] : memref<30xi32, #tpu.memory_space<smem>>
    %c0_i32 = arith.constant 0 : i32
    %c0_i32_1 = arith.constant 0 : i32
    %c0_i32_2 = arith.constant 0 : i32
    return %get3A_0, %c0_i32, %c0_i32_1 : i32, i32, i32
  }
  func.func @transform_4(%arg0: i32, %arg1: memref<30xi32, #tpu.memory_space<smem>>, %arg2: memref<30xi32, #tpu.memory_space<smem>>, %arg3: memref<30xi32, #tpu.memory_space<smem>>, %arg4: memref<30xi32, #tpu.memory_space<smem>>) -> (i32, i32, i32) {
    %get3A = arith.index_cast %arg0 : i32 to index
    %get3A_0 = memref.load %arg1[%get3A] : memref<30xi32, #tpu.memory_space<smem>>
    %c0_i32 = arith.constant 0 : i32
    %c0_i32_1 = arith.constant 0 : i32
    %c0_i32_2 = arith.constant 0 : i32
    return %get3A_0, %c0_i32, %c0_i32_1 : i32, i32, i32
  }
  func.func @transform_5(%arg0: i32, %arg1: memref<30xi32, #tpu.memory_space<smem>>, %arg2: memref<30xi32, #tpu.memory_space<smem>>, %arg3: memref<30xi32, #tpu.memory_space<smem>>, %arg4: memref<30xi32, #tpu.memory_space<smem>>) -> (i32, i32, i32) {
    %get3A = arith.index_cast %arg0 : i32 to index
    %get3A_0 = memref.load %arg1[%get3A] : memref<30xi32, #tpu.memory_space<smem>>
    %c0_i32 = arith.constant 0 : i32
    %c0_i32_1 = arith.constant 0 : i32
    %c0_i32_2 = arith.constant 0 : i32
    return %get3A_0, %c0_i32, %c0_i32_1 : i32, i32, i32
  }
}

module attributes {stable_mosaic.version = 14 : i64} {
  func.func @_head_body(%arg0: memref<10x512xf32, #tpu.memory_space<vmem>>, %arg1: memref<10x1xf32, #tpu.memory_space<vmem>>, %arg2: memref<512x512xf32, #tpu.memory_space<vmem>>, %arg3: memref<1x512xf32, #tpu.memory_space<vmem>>, %arg4: memref<512x256xf32, #tpu.memory_space<vmem>>, %arg5: memref<1x256xf32, #tpu.memory_space<vmem>>, %arg6: memref<512x256xf32, #tpu.memory_space<vmem>>, %arg7: memref<1x256xf32, #tpu.memory_space<vmem>>, %arg8: memref<256x1xf32, #tpu.memory_space<vmem>>, %arg9: memref<1x1xf32, #tpu.memory_space<vmem>>, %arg10: memref<512x256xf32, #tpu.memory_space<vmem>>, %arg11: memref<1x256xf32, #tpu.memory_space<vmem>>, %arg12: memref<256x4xf32, #tpu.memory_space<vmem>>, %arg13: memref<1x4xf32, #tpu.memory_space<vmem>>, %arg14: memref<1x4xf32, #tpu.memory_space<vmem>>, %arg15: memref<1x4xf32, #tpu.memory_space<vmem>>, %arg16: memref<1x1xi32, #tpu.memory_space<vmem>>) attributes {dimension_semantics = [], scalar_prefetch = 0 : i64, scratch_operands = 0 : i64, tpu.core_type = #tpu.core_type<tc>} {
    %get3A = arith.constant 0 : index
    %get3A_0 = arith.constant 0 : index
    %get3A_1 = vector.load %arg1[%get3A, %get3A_0] : memref<10x1xf32, #tpu.memory_space<vmem>>, vector<10x1xf32>
    %get3A_2 = arith.constant 0 : index
    %get3A_3 = arith.constant 0 : index
    %get3A_4 = vector.load %arg0[%get3A_2, %get3A_3] : memref<10x512xf32, #tpu.memory_space<vmem>>, vector<10x512xf32>
    %gt3A = arith.constant 0.000000e+00 : f32
    %gt3A_5 = vector.broadcast %gt3A : f32 to vector<10x1xf32>
    %gt3A_6 = arith.cmpf ogt, %get3A_1, %gt3A_5 : vector<10x1xf32>
    %max3A = arith.constant 1.000000e+00 : f32
    %max3A_7 = vector.broadcast %max3A : f32 to vector<10x1xf32>
    %max3A_8 = arith.maximumf %get3A_1, %max3A_7 : vector<10x1xf32>
    %div3A = vector.broadcast %max3A_8 : vector<10x1xf32> to vector<10x512xf32>
    %div3A_9 = arith.divf %get3A_4, %div3A : vector<10x512xf32>
    %jit3A = arith.constant 0.000000e+00 : f32
    %broadcast_in_dim3A = vector.shape_cast %gt3A_6 : vector<10x1xi1> to vector<10x1xi1>
    %broadcast_in_dim3A_10 = vector.broadcast %broadcast_in_dim3A : vector<10x1xi1> to vector<10x512xi1>
    %broadcast_in_dim3A_11 = vector.broadcast %jit3A : f32 to vector<10x512xf32>
    %select_n3A = arith.select %broadcast_in_dim3A_10, %div3A_9, %broadcast_in_dim3A_11 : vector<10x512xi1>, vector<10x512xf32>
    %get3A_12 = arith.constant 0 : index
    %get3A_13 = arith.constant 0 : index
    %get3A_14 = vector.load %arg2[%get3A_12, %get3A_13] : memref<512x512xf32, #tpu.memory_space<vmem>>, vector<512x512xf32>
    %dot_general3A = arith.constant dense<0.000000e+00> : vector<10x512xf32>
    %dot_general3A_15 = tpu.matmul %select_n3A, %get3A_14, %dot_general3A {dimension_numbers = #tpu.dot_dimension_numbers<[1], [0], [0], [1], [0, 0, 1, 1], [], []>, transpose_lhs_hint = false} : vector<10x512xf32>, vector<512x512xf32>, vector<10x512xf32> -> vector<10x512xf32>
    %get3A_16 = arith.constant 0 : index
    %get3A_17 = arith.constant 0 : index
    %get3A_18 = vector.load %arg3[%get3A_16, %get3A_17] : memref<1x512xf32, #tpu.memory_space<vmem>>, vector<1x512xf32>
    %add3A = vector.broadcast %get3A_18 : vector<1x512xf32> to vector<10x512xf32>
    %add3A_19 = arith.addf %dot_general3A_15, %add3A : vector<10x512xf32>
    %max3A_20 = arith.constant 0.000000e+00 : f32
    %max3A_21 = vector.broadcast %max3A_20 : f32 to vector<10x512xf32>
    %max3A_22 = arith.maximumf %add3A_19, %max3A_21 : vector<10x512xf32>
    %get3A_23 = arith.constant 0 : index
    %get3A_24 = arith.constant 0 : index
    %get3A_25 = vector.load %arg4[%get3A_23, %get3A_24] : memref<512x256xf32, #tpu.memory_space<vmem>>, vector<512x256xf32>
    %dot_general3A_26 = arith.constant dense<0.000000e+00> : vector<10x256xf32>
    %dot_general3A_27 = tpu.matmul %max3A_22, %get3A_25, %dot_general3A_26 {dimension_numbers = #tpu.dot_dimension_numbers<[1], [0], [0], [1], [0, 0, 1, 1], [], []>, transpose_lhs_hint = false} : vector<10x512xf32>, vector<512x256xf32>, vector<10x256xf32> -> vector<10x256xf32>
    %get3A_28 = arith.constant 0 : index
    %get3A_29 = arith.constant 0 : index
    %get3A_30 = vector.load %arg5[%get3A_28, %get3A_29] : memref<1x256xf32, #tpu.memory_space<vmem>>, vector<1x256xf32>
    %add3A_31 = vector.broadcast %get3A_30 : vector<1x256xf32> to vector<10x256xf32>
    %add3A_32 = arith.addf %dot_general3A_27, %add3A_31 : vector<10x256xf32>
    %tanh3A = math.tanh %add3A_32 : vector<10x256xf32>
    %get3A_33 = arith.constant 0 : index
    %get3A_34 = arith.constant 0 : index
    %get3A_35 = vector.load %arg6[%get3A_33, %get3A_34] : memref<512x256xf32, #tpu.memory_space<vmem>>, vector<512x256xf32>
    %dot_general3A_36 = arith.constant dense<0.000000e+00> : vector<10x256xf32>
    %dot_general3A_37 = tpu.matmul %max3A_22, %get3A_35, %dot_general3A_36 {dimension_numbers = #tpu.dot_dimension_numbers<[1], [0], [0], [1], [0, 0, 1, 1], [], []>, transpose_lhs_hint = false} : vector<10x512xf32>, vector<512x256xf32>, vector<10x256xf32> -> vector<10x256xf32>
    %get3A_38 = arith.constant 0 : index
    %get3A_39 = arith.constant 0 : index
    %get3A_40 = vector.load %arg7[%get3A_38, %get3A_39] : memref<1x256xf32, #tpu.memory_space<vmem>>, vector<1x256xf32>
    %add3A_41 = vector.broadcast %get3A_40 : vector<1x256xf32> to vector<10x256xf32>
    %add3A_42 = arith.addf %dot_general3A_37, %add3A_41 : vector<10x256xf32>
    %neg3A = arith.constant 0.000000e+00 : f32
    %neg3A_43 = vector.broadcast %neg3A : f32 to vector<10x256xf32>
    %neg3A_44 = arith.subf %neg3A_43, %add3A_42 : vector<10x256xf32>
    %exp3A = math.exp %neg3A_44 : vector<10x256xf32>
    %add3A_45 = arith.constant 1.000000e+00 : f32
    %add3A_46 = vector.broadcast %add3A_45 : f32 to vector<10x256xf32>
    %add3A_47 = arith.addf %add3A_46, %exp3A : vector<10x256xf32>
    %div3A_48 = arith.constant 1.000000e+00 : f32
    %div3A_49 = vector.broadcast %div3A_48 : f32 to vector<10x256xf32>
    %div3A_50 = arith.divf %div3A_49, %add3A_47 : vector<10x256xf32>
    %mul3A = arith.mulf %tanh3A, %div3A_50 : vector<10x256xf32>
    %get3A_51 = arith.constant 0 : index
    %get3A_52 = arith.constant 0 : index
    %get3A_53 = vector.load %arg8[%get3A_51, %get3A_52] : memref<256x1xf32, #tpu.memory_space<vmem>>, vector<256x1xf32>
    %dot_general3A_54 = arith.constant dense<0.000000e+00> : vector<10x1xf32>
    %dot_general3A_55 = tpu.matmul %mul3A, %get3A_53, %dot_general3A_54 {dimension_numbers = #tpu.dot_dimension_numbers<[1], [0], [0], [1], [0, 0, 1, 1], [], []>, transpose_lhs_hint = false} : vector<10x256xf32>, vector<256x1xf32>, vector<10x1xf32> -> vector<10x1xf32>
    %get3A_56 = arith.constant 0 : index
    %get3A_57 = arith.constant 0 : index
    %get3A_58 = vector.load %arg9[%get3A_56, %get3A_57] : memref<1x1xf32, #tpu.memory_space<vmem>>, vector<1x1xf32>
    %add3A_59 = vector.broadcast %get3A_58 : vector<1x1xf32> to vector<10x1xf32>
    %add3A_60 = arith.addf %dot_general3A_55, %add3A_59 : vector<10x1xf32>
    %reduce_max3A = arith.constant dense<0xFF800000> : vector<1xf32>
    %reduce_max3A_61 = vector.multi_reduction <maximumf>, %add3A_60, %reduce_max3A [0] : vector<10x1xf32> to vector<1xf32>
    %broadcast_in_dim3A_62 = vector.shape_cast %reduce_max3A_61 : vector<1xf32> to vector<1x1xf32>
    %sub3A = vector.broadcast %broadcast_in_dim3A_62 : vector<1x1xf32> to vector<10x1xf32>
    %sub3A_63 = arith.subf %add3A_60, %sub3A : vector<10x1xf32>
    %exp3A_64 = math.exp %sub3A_63 : vector<10x1xf32>
    %reduce_sum3A = arith.constant dense<0.000000e+00> : vector<1xf32>
    %reduce_sum3A_65 = vector.multi_reduction <add>, %exp3A_64, %reduce_sum3A [0] : vector<10x1xf32> to vector<1xf32>
    %broadcast_in_dim3A_66 = vector.shape_cast %reduce_sum3A_65 : vector<1xf32> to vector<1x1xf32>
    %div3A_67 = vector.broadcast %broadcast_in_dim3A_66 : vector<1x1xf32> to vector<10x1xf32>
    %div3A_68 = arith.divf %exp3A_64, %div3A_67 : vector<10x1xf32>
    %mul3A_69 = vector.broadcast %div3A_68 : vector<10x1xf32> to vector<10x512xf32>
    %mul3A_70 = arith.mulf %mul3A_69, %max3A_22 : vector<10x512xf32>
    %reduce_sum3A_71 = arith.constant dense<0.000000e+00> : vector<512xf32>
    %reduce_sum3A_72 = vector.multi_reduction <add>, %mul3A_70, %reduce_sum3A_71 [0] : vector<10x512xf32> to vector<512xf32>
    %broadcast_in_dim3A_73 = vector.shape_cast %reduce_sum3A_72 : vector<512xf32> to vector<1x512xf32>
    %get3A_74 = arith.constant 0 : index
    %get3A_75 = arith.constant 0 : index
    %get3A_76 = vector.load %arg10[%get3A_74, %get3A_75] : memref<512x256xf32, #tpu.memory_space<vmem>>, vector<512x256xf32>
    %dot_general3A_77 = arith.constant dense<0.000000e+00> : vector<1x256xf32>
    %dot_general3A_78 = tpu.matmul %broadcast_in_dim3A_73, %get3A_76, %dot_general3A_77 {dimension_numbers = #tpu.dot_dimension_numbers<[1], [0], [0], [1], [0, 0, 1, 1], [], []>, transpose_lhs_hint = false} : vector<1x512xf32>, vector<512x256xf32>, vector<1x256xf32> -> vector<1x256xf32>
    %get3A_79 = arith.constant 0 : index
    %get3A_80 = arith.constant 0 : index
    %get3A_81 = vector.load %arg11[%get3A_79, %get3A_80] : memref<1x256xf32, #tpu.memory_space<vmem>>, vector<1x256xf32>
    %add3A_82 = arith.addf %dot_general3A_78, %get3A_81 : vector<1x256xf32>
    %max3A_83 = arith.constant 0.000000e+00 : f32
    %max3A_84 = vector.broadcast %max3A_83 : f32 to vector<1x256xf32>
    %max3A_85 = arith.maximumf %add3A_82, %max3A_84 : vector<1x256xf32>
    %get3A_86 = arith.constant 0 : index
    %get3A_87 = arith.constant 0 : index
    %get3A_88 = vector.load %arg12[%get3A_86, %get3A_87] : memref<256x4xf32, #tpu.memory_space<vmem>>, vector<256x4xf32>
    %dot_general3A_89 = arith.constant dense<0.000000e+00> : vector<1x4xf32>
    %dot_general3A_90 = tpu.matmul %max3A_85, %get3A_88, %dot_general3A_89 {dimension_numbers = #tpu.dot_dimension_numbers<[1], [0], [0], [1], [0, 0, 1, 1], [], []>, transpose_lhs_hint = false} : vector<1x256xf32>, vector<256x4xf32>, vector<1x4xf32> -> vector<1x4xf32>
    %get3A_91 = arith.constant 0 : index
    %get3A_92 = arith.constant 0 : index
    %get3A_93 = vector.load %arg13[%get3A_91, %get3A_92] : memref<1x4xf32, #tpu.memory_space<vmem>>, vector<1x4xf32>
    %add3A_94 = arith.addf %dot_general3A_90, %get3A_93 : vector<1x4xf32>
    %neg3A_95 = arith.constant 0.000000e+00 : f32
    %neg3A_96 = vector.broadcast %neg3A_95 : f32 to vector<1x4xf32>
    %neg3A_97 = arith.subf %neg3A_96, %add3A_94 : vector<1x4xf32>
    %exp3A_98 = math.exp %neg3A_97 : vector<1x4xf32>
    %add3A_99 = arith.constant 1.000000e+00 : f32
    %add3A_100 = vector.broadcast %add3A_99 : f32 to vector<1x4xf32>
    %add3A_101 = arith.addf %add3A_100, %exp3A_98 : vector<1x4xf32>
    %div3A_102 = arith.constant 1.000000e+00 : f32
    %div3A_103 = vector.broadcast %div3A_102 : f32 to vector<1x4xf32>
    %div3A_104 = arith.divf %div3A_103, %add3A_101 : vector<1x4xf32>
    %swap3A = arith.constant 0 : index
    %swap3A_105 = arith.constant 0 : index
    %swap3A_106 = vector.load %arg14[%swap3A, %swap3A_105] : memref<1x4xf32, #tpu.memory_space<vmem>>, vector<1x4xf32>
    tpu.vector_store %arg14[%swap3A, %swap3A_105], %div3A_104 {strides = array<i32>} : memref<1x4xf32, #tpu.memory_space<vmem>>, vector<1x4xf32>,
    %iota3A = tpu.iota {dimensions = array<i32: 0>} : vector<4x4xi32>
    %iota3A_107 = tpu.iota {dimensions = array<i32: 1>} : vector<4x4xi32>
    %le3A = arith.cmpi sle, %iota3A, %iota3A_107 : vector<4x4xi32>
    %convert_element_type3A = arith.extui %le3A : vector<4x4xi1> to vector<4x4xi32>
    %convert_element_type3A_108 = arith.sitofp %convert_element_type3A : vector<4x4xi32> to vector<4x4xf32>
    %sub3A_109 = arith.constant 1.000000e+00 : f32
    %sub3A_110 = vector.broadcast %sub3A_109 : f32 to vector<1x4xf32>
    %sub3A_111 = arith.subf %sub3A_110, %div3A_104 : vector<1x4xf32>
    %log3A = math.log %sub3A_111 : vector<1x4xf32>
    %dot_general3A_112 = arith.constant dense<0.000000e+00> : vector<1x4xf32>
    %dot_general3A_113 = tpu.matmul %log3A, %convert_element_type3A_108, %dot_general3A_112 {dimension_numbers = #tpu.dot_dimension_numbers<[1], [0], [0], [1], [0, 0, 1, 1], [], []>, transpose_lhs_hint = false} : vector<1x4xf32>, vector<4x4xf32>, vector<1x4xf32> -> vector<1x4xf32>
    %exp3A_114 = math.exp %dot_general3A_113 : vector<1x4xf32>
    %swap3A_115 = arith.constant 0 : index
    %swap3A_116 = arith.constant 0 : index
    %swap3A_117 = vector.load %arg15[%swap3A_115, %swap3A_116] : memref<1x4xf32, #tpu.memory_space<vmem>>, vector<1x4xf32>
    tpu.vector_store %arg15[%swap3A_115, %swap3A_116], %exp3A_114 {strides = array<i32>} : memref<1x4xf32, #tpu.memory_space<vmem>>, vector<1x4xf32>,
    %reduce_max3A_118 = arith.constant dense<0xFF800000> : vector<1xf32>
    %reduce_max3A_119 = vector.multi_reduction <maximumf>, %add3A_94, %reduce_max3A_118 [1] : vector<1x4xf32> to vector<1xf32>
    %broadcast_in_dim3A_120 = vector.shape_cast %reduce_max3A_119 : vector<1xf32> to vector<1x1xf32>
    %iota3A_121 = tpu.iota {dimensions = array<i32: 1>} : vector<1x4xi32>
    %ge3A = vector.broadcast %broadcast_in_dim3A_120 : vector<1x1xf32> to vector<1x4xf32>
    %ge3A_122 = arith.cmpf oge, %add3A_94, %ge3A : vector<1x4xf32>
    %jit3A_123 = arith.constant 4 : i32
    %broadcast_in_dim3A_124 = vector.broadcast %jit3A_123 : i32 to vector<1x4xi32>
    %select_n3A_125 = arith.select %ge3A_122, %iota3A_121, %broadcast_in_dim3A_124 : vector<1x4xi1>, vector<1x4xi32>
    %reduce_min3A = arith.constant dense<2147483647> : vector<1xi32>
    %reduce_min3A_126 = vector.multi_reduction <minsi>, %select_n3A_125, %reduce_min3A [1] : vector<1x4xi32> to vector<1xi32>
    %broadcast_in_dim3A_127 = vector.shape_cast %reduce_min3A_126 : vector<1xi32> to vector<1x1xi32>
    %swap3A_128 = arith.constant 0 : index
    %swap3A_129 = arith.constant 0 : index
    %swap3A_130 = vector.load %arg16[%swap3A_128, %swap3A_129] : memref<1x1xi32, #tpu.memory_space<vmem>>, vector<1x1xi32>
    tpu.vector_store %arg16[%swap3A_128, %swap3A_129], %broadcast_in_dim3A_127 {strides = array<i32>} : memref<1x1xi32, #tpu.memory_space<vmem>>, vector<1x1xi32>,
    return
  }
}

</mosaic_0001>

<sc_bundles>
// kernel: kernel.5.cloned.1.call-start
scs
__scs_entry_jumppad:
0x0: {  	(pc) =	sbr.rel $0x88, $3  }
0x1: {  	(tag) =	ssettag $0x0;
	lr =	simm.s32 $0x1  }
0x2: {  	[smem:$0x3F8F] =	sst lr;
	_ =	strace $0xD0000000  }
0x3: {  	_ = 	snop  }
0x4: {  	_ = 	snop  }
0x5: {  	_ = 	snop  }
0x6: {  	_ = 	snop  }
0x7: {  	_ = 	snop  }
__scs_overlays_trampoline_lowered:
0x8: {  	[smem:$0x3F9E] =	sst s0  }
0x9: {  	[smem:$0x3F9F] =	sst s1  }
0xa: {  	[smem:$0x3FA0] =	sst s2  }
0xb: {  	[smem:$0x3FA1] =	sst s3  }
0xc: {  	[smem:$0x3FA2] =	sst s4  }
0xd: {  	[smem:$0x3FA3] =	sst s5  }
0xe: {  	[smem:$0x3FA4] =	sst s6  }
0xf: {  	[smem:$0x3FA5] =	sst s7  }
0x10: {  	[smem:$0x3FA6] =	sst s8  }
0x11: {  	[smem:$0x3FA7] =	sst s9;
	s0 =	simm.s32 @!p0 $0x0  }
0x12: {  	s1 =	sld [smem:$0x3F8D];
	s0 =	simm.s32 @p0 $0x1  }
0x13: {  	[smem:$0x3FA8] =	sst s0;
	s0 =	simm.s32 @!p1 $0x0  }
0x14: {  	s2 =	sld [smem:$0x3F8C];
	s0 =	simm.s32 @p1 $0x1  }
0x15: {  	[smem:$0x3FA9] =	sst s0;
	s0 =	simm.s32 @!p2 $0x0  }
0x16: {  	s3 =	sld [smem:$0x3FDB];
	s0 =	simm.s32 @p2 $0x1  }
0x17: {  	s4 =	simm.s32 $0x1BF5;
	[smem:$0x3FAB] =	sst s0  }
0x18: {  	s0 =	sld [smem:$0x3F8E];
	_ =	swait.ge [sflag:s4], $0x0  }
0x19: {  	s7 =	sld [smem:$0x3F8F]  }
0x1a: {  	s8 =	sadd.s32 $0xFFFFE003, lr  }
0x1b: {  	s9 =	sadd.s32 $0xFFFFFEF7, lr;
	s5 =	simm.s32 $0xFFFFFFFF;
	p2 =	slt.u32 s8, $0xFFFFF086  }
0x1c: {  	p1 =	slt.u32 s9, $0xF7A;
	s5 =	simm.s32 @!p2 $0x0  }
0x1d: {  	s5 =	simm.s32 @p1 $0x1;
	p0 =	seq.s32 s7, s2  }
0x1e: {  	s7 =	smul.u32 @!p0 $0xF7A, s2;
	p2 =	seq.s32 @!p0 s5, $0x0  }
0x1f: {  	s9 =	smul.u32 $0xF7A, s1;
	s8 =	simm.s32 @!p0 $0x1BF5;
	p2 =	por !p2, p0  }
0x20: {  	[sflag:s8] =	ssyncset.s32 @!p0 $0xFFFFF086;
	s6 =	sadd.s32 @!p0 s3, s7;
	s7 =	simm.s32 @!p0 $0x108  }
0x21: {  	s3 =	sadd.s32 s3, s9;
	s6 =	sadd.s32 @!p0 $0x88, s6;
	s7 =	simm.s32 @p2 $0x1082  }
0x22: {  	[simem:s7], [sflag:s8] =	dma.local @!p0 [hbm:s6], $0xF7A  }
0x23: {  	s9 =	sor.u32 $0xD0000000, s2;
	s6 =	simm.s32 $0x108;
	_ =	swait.ge @!p0 [sflag:s8], $0x0  }
0x24: {  	s3 =	sadd.s32 $0x88, s3;
	s6 =	simm.s32 @!p1 $0x1082;
	[sflag:s4] =	ssyncset.s32 $0xFFFFF086  }
0x25: {  	[simem:s6], [sflag:s4] =	dma.local [hbm:s3], $0xF7A  }
0x26: {  	[smem:$0x3F8F] =	sst s1;
	(tag) =	ssettag s2;
	_ =	strace s9  }
0x27: {  	s1 =	sld [smem:$0x3F9F]  }
0x28: {  	s2 =	sld [smem:$0x3FA0]  }
0x29: {  	s4 =	sld [smem:$0x3FA2]  }
0x2a: {  	p0 =	seq.s32 s5, $0x0;
	s5 =	sld [smem:$0x3FA3]  }
0x2b: {  	s6 =	sld [smem:$0x3FA4]  }
0x2c: {  	s7 =	sld [smem:$0x3FA5]  }
0x2d: {  	s3 =	simm.s32 $0x108;
	s8 =	sld [smem:$0x3FA6]  }
0x2e: {  	s3 =	simm.s32 @!p0 $0x1082;
	s9 =	sld [smem:$0x3FA7]  }
0x2f: {  	lr =	sadd.s32 s0, s3;
	s0 =	sld [smem:$0x3F9E]  }
0x30: {  	s3 =	sld [smem:$0x3FA1]  }
0x31: {  	[smem:$0x3FAA] =	sst s10  }
0x32: {  	s10 =	sld [smem:$0x3FA8];
	_ =	sdelay $0x3  }
0x33: {  	p0 =	seq.s32 s10, $0x1;
	s10 =	sld [smem:$0x3FAA];
	_ =	sdelay $0x3  }
0x34: {  	[smem:$0x3FAA] =	sst s10  }
0x35: {  	s10 =	sld [smem:$0x3FA9];
	_ =	sdelay $0x3  }
0x36: {  	p1 =	seq.s32 s10, $0x1;
	s10 =	sld [smem:$0x3FAA];
	_ =	sdelay $0x3  }
0x37: {  	[smem:$0x3FAA] =	sst s10  }
0x38: {  	s10 =	sld [smem:$0x3FAB]  }
0x39: {  	_ = 	snop;
	(pc) =	sbr.ind lr, $3  }
0x3a: {  	_ = 	snop  }
0x3b: {  	_ = 	snop  }
0x3c: {  	p2 =	seq.s32 s10, $0x1;
	s10 =	sld [smem:$0x3FAA]  }
0x3d: {  	_ =	shalt  }
0x3e: {  	_ =	shalt  }
0x3f: {  	_ =	shalt  }
0x40: {  	_ =	shalt  }
0x41: {  	_ =	shalt  }
0x42: {  	_ =	shalt  }
0x43: {  	_ =	shalt  }
0x44: {  	_ =	shalt  }
0x45: {  	_ =	shalt  }
0x46: {  	_ =	shalt  }
0x47: {  	_ =	shalt  }
0x48: {  	_ =	shalt  }
0x49: {  	_ =	shalt  }
0x4a: {  	_ =	shalt  }
0x4b: {  	_ =	shalt  }
0x4c: {  	_ =	shalt  }
0x4d: {  	_ =	shalt  }
0x4e: {  	_ =	shalt  }
0x4f: {  	_ =	shalt  }
0x50: {  	_ =	shalt  }
0x51: {  	_ =	shalt  }
0x52: {  	_ =	shalt  }
0x53: {  	_ =	shalt  }
0x54: {  	_ =	shalt  }
0x55: {  	_ =	shalt  }
0x56: {  	_ =	shalt  }
0x57: {  	_ =	shalt  }
0x58: {  	_ =	shalt  }
0x59: {  	_ =	shalt  }
0x5a: {  	_ =	shalt  }
0x5b: {  	_ =	shalt  }
0x5c: {  	_ =	shalt  }
0x5d: {  	_ =	shalt  }
0x5e: {  	_ =	shalt  }
0x5f: {  	_ =	shalt  }
0x60: {  	_ =	shalt  }
0x61: {  	_ =	shalt  }
0x62: {  	_ =	shalt  }
0x63: {  	_ =	shalt  }
0x64: {  	_ =	shalt  }
0x65: {  	_ =	shalt  }
0x66: {  	_ =	shalt  }
0x67: {  	_ =	shalt  }
0x68: {  	_ =	shalt  }
0x69: {  	_ =	shalt  }
0x6a: {  	_ =	shalt  }
0x6b: {  	_ =	shalt  }
0x6c: {  	_ =	shalt  }
0x6d: {  	_ =	shalt  }
0x6e: {  	_ =	shalt  }
0x6f: {  	_ =	shalt  }
0x70: {  	_ =	shalt  }
0x71: {  	_ =	shalt  }
0x72: {  	_ =	shalt  }
0x73: {  	_ =	shalt  }
0x74: {  	_ =	shalt  }
0x75: {  	_ =	shalt  }
0x76: {  	_ =	shalt  }
0x77: {  	_ =	shalt  }
0x78: {  	_ =	shalt  }
0x79: {  	_ =	shalt  }
0x7a: {  	_ =	shalt  }
0x7b: {  	_ =	shalt  }
0x7c: {  	_ =	shalt  }
0x7d: {  	_ =	shalt  }
0x7e: {  	_ =	shalt  }
0x7f: {  	_ =	shalt  }
0x80: {  	_ =	shalt  }
0x81: {  	_ =	shalt  }
0x82: {  	_ =	shalt  }
0x83: {  	_ =	shalt  }
0x84: {  	_ =	shalt  }
0x85: {  	_ =	shalt  }
0x86: {  	_ =	shalt  }
0x87: {  	_ =	shalt  }
.Lfunc_end0:
.L_simem_size_0:
called_computation_lowered:
.L_overlay_start_0:
0x88: {  	s2 =	sld [smem:$0x3FD9]  }
0x89: {  	s3 =	sld [smem:$0x3FFE];
	_ =	sdelay $0x1  }
0x8a: {  	s1 =	srdreg.scid  }
0x8b: {  	s0 =	sand.u32 $0x1, s1  }
0x8c: {  	s17 =	sshll.u32 s0, $0xA;
	s2 =	sadd.s32 s3, s2  }
0x8d: {  	s2 =	sadd.s32 s2, s17  }
0x8e: {  	[smem:$0x3FB6] =	sst s2  }
0x8f: {  	_ = 	snop  }
0x90: {  	s2 =	sld [smem:$0x3FC9];
	(tm) =	ssettm $0x1  }
0x91: {  	s18 =	sld [smem:$0x3FFB];
	_ =	sdelay $0x3  }
0x92: {  	_ =	strace s18  }
0x93: {  	s3 =	sld [smem:$0x3FFC];
	_ =	sdelay $0x3  }
0x94: {  	_ =	strace s3  }
0x95: {  	s3 =	sld [smem:$0x3FFD];
	_ =	sdelay $0x3  }
0x96: {  	_ =	strace s3  }
0x97: {  	_ =	strace $0x8FFFFFFF  }
0x98: {  	s19 =	sld [smem:$0x3FDB];
	_ =	sdelay $0x1  }
0x99: {  	s4 =	simm.s32 $_scs_section_size  }
0x9a: {  	s5 =	simm.s32 $_size__tile_overlayer_lowered;
	s6 =	simm.s32 $_tile_overlayer_lowered  }
0x9b: {  	s22 =	simm.s32 $0x1BFF;
	s21 =	sshll.u32 s6, $0x1;
	s3 =	sadd.s32 s4, s19  }
0x9c: {  	s7 =	simm.s32 $0x0;
	s20 =	sshll.u32 s5, $0x1;
	s5 =	sadd.s32 s21, s3  }
0x9d: {  	[timem:s7], [sflag:s22] =	dma.local [hbm:s5], s20  }
0x9e: {  	_ =	swait.ge [sflag:s22], s20  }
0x9f: {  	s4 =	ssub.s32 $0x0, s20;
	[sflag:s22] =	ssyncset.done $0x0  }
0xa0: {  	[sflag:s22] =	ssyncadd.s32 s4;
	_ =	sdelay $0x1  }
0xa1: {  	s23 =	simm.s32 $0x1B8B  }
0xa2: {  	_ =	swait.ge [sflag:s23], $0x1  }
0xa3: {  	[sflag:s23] =	ssyncset.done $0x0  }
0xa4: {  	s25 =	simm.s32 $0x1B8E;
	s24 =	sld [smem:$0x3FFE];
	[sflag:s23] =	ssyncadd.s32 $0xFFFFFFFF  }
0xa5: {  	s26 =	simm.s32 $execute0_lowered;
	[smem:$0x3FD2] =	sst s25  }
0xa6: {  	s5 =	sshll.u32 s26, $0x1;
	_ =	strace $0x80000046;
	[dreg:$0x1] =	wrdreg $0xFFFFFFFF  }
0xa7: {  	s28 =	simm.s32 $_size_execute0_lowered;
	s3 =	sadd.s32 s3, s5;
	[dreg:$0x0] =	wrdreg $0x0  }
0xa8: {  	s5 =	sshll.u32 s28, $0x1;
	[dreg:$0x2] =	wrdreg s3  }
0xa9: {  	[dreg:$0x3] =	wrdreg s5  }
0xaa: {  	[dreg:$0x4] =	wrdreg $0xC0  }
0xab: {  	_ =	task [dreg:s7], $0x5FFFF  }
0xac: {  	[dreg:$0x1] =	wrdreg $0xFFFFFFFF  }
0xad: {  	[dreg:$0x0] =	wrdreg $0x60  }
0xae: {  	[dreg:$0x2] =	wrdreg s2  }
0xaf: {  	[dreg:$0x3] =	wrdreg s24  }
0xb0: {  	[dreg:$0x4] =	wrdreg $0x9  }
0xb1: {  	_ =	task.clear_ibuf [dreg:s7], $0x5FFFF;
	_ =	strace $0x90000046  }
0xb2: {  	s29 =	simm.s32 $0x9;
	_ =	strace $0x80000048  }
0xb3: {  	_ =	swait.ge [sflag:s29], $0x1  }
0xb4: {  	[sflag:s29] =	ssyncadd.s32 $0xFFFFFFFF  }
0xb5: {  	_ =	strace $0x90000048  }
0xb6: {  	_ =	sfence  }
0xb7: {  	s30 =	sld [smem:$0x0];
	_ =	sdelay $0x2  }
0xb8: {  	s31 =	sshll.u32 s1, $0xD;
	s1 =	sshrl.u32 s1, $0x2  }
0xb9: {  	s3 =	sand.u32 $0x4000, s31;
	s1 =	sadd.s32 s1, s30  }
0xba: {  	s0 =	sor.u32 s3, s0;
	s1 =	sshll.u32 s1, $0x11  }
0xbb: {  	s0 =	sor.u32 s1, s0  }
0xbc: {  	s0 =	sadd.s32 $0x8F2B, s0  }
0xbd: {  	[sflag:s0] =	ssyncadd.remote.s32 $0x1  }
0xbe: {  	_ =	sfence.sel $0xFFFF  }
0xbf: {  	[dreg:$0x0] =	wrdreg $0xFFFFFFFF;
	(pc) =	sbr.abs _section_cstart, $3  }
0xc0: {  	[dreg:$0x1] =	wrdreg $0xFFFFFFFF  }
0xc1: {  	_ =	task.clear_ibuf [dreg:s7], $0x2FFFF;
	_ =	strace $0x9FFFFFFF  }
0xc2: {  	(tm) =	ssettm $0x7FFFFFFF  }
0xc3: {  	_ =	shalt  }
tec
execute0_lowered:
.L_overlay_start_1:
0x0: {  	(tag) =	ssettag $0x1  }
0x1: {  	s0 =	srdreg.scid;
	s2 =	rddreg [dreg:$0x0]  }
0x2: {  	s1 =	stileid.u32;
	s4 =	rddreg [dreg:$0x1];
	s3 =	simm.s32 $0x0  }
0x3: {  	s11 =	simm.s32 $0x1;
	s29 =	simm.s32 $0x2;
	s30 =	simm.s32 $0x4  }
0x4: {  	s31 =	simm.s32 $0x180;
	s10 =	simm.s32 $0x14180;
	s12 =	simm.s32 $0x15180  }
0x5: {  	s13 =	simm.s32 $0x15980;
	s14 =	simm.s32 $0x16180;
	s15 =	simm.s32 $0x16980  }
0x6: {  	s16 =	simm.s32 $0x17180;
	s0 =	sand.u32 $0x1, s0;
	s1 =	sshll.u32 s1, $0x1  }
0x7: {  	s17 =	simm.s32 $0x17980;
	s18 =	simm.s32 $0x18180;
	s1 =	sor.u32 s0, s1  }
0x8: {  	s28 =	simm.s32 $0x1C180;
	[smem:$0x7FF] =	sst s3;
	s5 =	smul.u32 $0x28, s1  }
0x9: {  	s7 =	sadd.s32 $0x600, s4;
	s0 =	ssub.s32 $0x2, s0;
	s6 =	smul.u32 $0xA000, s1  }
0xa: {  	_ =	strace $0x80000047;
	s1 =	smul.u32 $0x50000, s1;
	s22 =	sshrl.u32 s0, $0x1  }
0xb: {  	s0 =	ssub.s32 s0, s22;
	s22 =	simm.s32 $0x1A180;
	s4 =	sadd.s32 s4, s5  }
0xc: {  	s19 =	sadd.s32 s7, s6;
	s1 =	sshrl.u32 s1, $0x3;
	[dreg:$0x3] =	wrdreg s4  }
0xd: {  	[dreg:$0xb] =	wrdreg s19;
	s20 =	sadd.s32 $0x1400, s19;
	s1 =	sadd.s32 s7, s1  }
0xe: {  	s5 =	sadd.s32 $0x100, s2;
	[dreg:$0x4] =	wrdreg s20;
	s21 =	sadd.s32 $0x2800, s1  }
0xf: {  	s6 =	sadd.s32 $0x200, s2;
	s23 =	sadd.s32 $0x3C00, s1;
	[dreg:$0x5] =	wrdreg s21  }
0x10: {  	s8 =	smax.u32 s0, $0x1;
	s24 =	sadd.s32 $0x5000, s1;
	[dreg:$0x6] =	wrdreg s23  }
0x11: {  	s0 =	simm.s32 $0x5;
	s25 =	sadd.s32 $0x6400, s1;
	[dreg:$0x7] =	wrdreg s24  }
0x12: {  	s7 =	sadd.s32 $0x300, s2;
	s26 =	sadd.s32 $0x7800, s1;
	[dreg:$0x8] =	wrdreg s25  }
0x13: {  	v2 =	vlaneseq.u32;
	s19 =	simm.s32 $0x18980;
	s1 =	sadd.s32 $0x8C00, s1;
	[dreg:$0x9] =	wrdreg s26  }
0x14: {  	vm0 =	vmmov $0xffff;
	v1 =	vshrl.u32 v2, $0x3;
	s20 =	simm.s32 $0x19180;
	[dreg:$0xa] =	wrdreg s1;
	s21 =	simm.s32 $0x19980  }
0x15: {  	v0 =	vand.u32 $0x7, v2;
	v2 =	vor.u32 $0x8, v2;
	v1 =	vmul.u32 $0x8, v1;
	s23 =	simm.s32 $0x1A980;
	s24 =	simm.s32 $0x1B180;
	s25 =	simm.s32 $0x1B980  }
.LBB2_1:
0x16: {  	s9 =	rddreg [dreg:$0x3];
	s4 =	simm.s32 $0x7  }
0x17: {  	[tilespmem:s3], [sflag:$0x7] =	stream.linear.gather [hbm4b:s9+s3], $0x140, $0x38;
	[tilespmem:$0x1E180] =	vst v63  }
0x18: {  	_ =	swait.ge [sflag:s4], $0x140  }
0x19: {  	[sflag:s4] =	ssyncset.done $0x0  }
0x1a: {  	[sflag:s4] =	ssyncadd.s32 $0xFFFFFEC0  }
0x1b: {  	v3 =	vld [tilespmem:$0x0];
	_ =	sdelay $0x4  }
0x1c: {  	v4 =	vshll.u32 v3, $0x3  }
0x1d: {  	v3 =	vand.u32 $0x7, v3;
	v4 =	vand.u32 $0xFFFFFFC0, v4  }
0x1e: {  	v3 =	vor.u32 v3, v4  }
0x1f: {  	v4 =	vperm.xlane v3, v0;
	_ =	sdelay $0x1  }
0x20: {  	v4 =	vadd.s32 v1, v4;
	_ =	sdelay $0x4  }
0x21: {  	[tilespmem:s31], [sflag:$0x1] =	stream.indirect_vreg.gather [hbm4b:s2+s3], $0x80, v4, vm0, $0xb8;
	[tilespmem:$0x1E180] =	vst v63  }
0x22: {  	s1 =	simm.s32 $0x980;
	v3 =	vperm.xlane v3, v2  }
0x23: {  	[tilespmem:s1], [sflag:$0x1] =	stream.indirect_vreg.gather [hbm4b:s5+s3], $0x80, v4, vm0, $0xb8;
	[tilespmem:$0x1E180] =	vst v63  }
0x24: {  	s9 =	simm.s32 $0x1180;
	v3 =	vadd.s32 v1, v3  }
0x25: {  	[tilespmem:s9], [sflag:$0x1] =	stream.indirect_vreg.gather [hbm4b:s6+s3], $0x80, v4, vm0, $0xb8;
	[tilespmem:$0x1E180] =	vst v63  }
0x26: {  	s4 =	simm.s32 $0x1980  }
0x27: {  	[tilespmem:s4], [sflag:$0x1] =	stream.indirect_vreg.gather [hbm4b:s7+s3], $0x80, v4, vm0, $0xb8;
	[tilespmem:$0x1E180] =	vst v63  }
0x28: {  	s9 =	simm.s32 $0x2180  }
0x29: {  	[tilespmem:s9], [sflag:$0x1] =	stream.indirect_vreg.gather [hbm4b:s2+s3], $0x80, v3, vm0, $0xb8;
	[tilespmem:$0x1E180] =	vst v63  }
0x2a: {  	s4 =	simm.s32 $0x2980  }
0x2b: {  	[tilespmem:s4], [sflag:$0x1] =	stream.indirect_vreg.gather [hbm4b:s5+s3], $0x80, v3, vm0, $0xb8;
	[tilespmem:$0x1E180] =	vst v63  }
0x2c: {  	s9 =	simm.s32 $0x3180  }
0x2d: {  	[tilespmem:s9], [sflag:$0x1] =	stream.indirect_vreg.gather [hbm4b:s6+s3], $0x80, v3, vm0, $0xb8;
	[tilespmem:$0x1E180] =	vst v63  }
0x2e: {  	s4 =	simm.s32 $0x3980  }
0x2f: {  	[tilespmem:s4], [sflag:$0x1] =	stream.indirect_vreg.gather [hbm4b:s7+s3], $0x80, v3, vm0, $0xb8;
	[tilespmem:$0x1E180] =	vst v63  }
0x30: {  	v3 =	vld [tilespmem:$0x10];
	_ =	sdelay $0x4  }
0x31: {  	v41 =	vshll.u32 v3, $0x3  }
0x32: {  	v3 =	vand.u32 $0x7, v3;
	v4 =	vand.u32 $0xFFFFFFC0, v41  }
0x33: {  	v3 =	vor.u32 v3, v4  }
0x34: {  	v4 =	vperm.xlane v3, v0;
	_ =	sdelay $0x1  }
0x35: {  	v4 =	vadd.s32 v1, v4;
	_ =	sdelay $0x3  }
0x36: {  	s9 =	simm.s32 $0x4180  }
0x37: {  	[tilespmem:s9], [sflag:$0x1] =	stream.indirect_vreg.gather [hbm4b:s2+s3], $0x80, v4, vm0, $0xb8;
	[tilespmem:$0x1E180] =	vst v63  }
0x38: {  	s4 =	simm.s32 $0x4980;
	v3 =	vperm.xlane v3, v2  }
0x39: {  	[tilespmem:s4], [sflag:$0x1] =	stream.indirect_vreg.gather [hbm4b:s5+s3], $0x80, v4, vm0, $0xb8;
	[tilespmem:$0x1E180] =	vst v63  }
0x3a: {  	v3 =	vadd.s32 v1, v3;
	s9 =	simm.s32 $0x5180  }
0x3b: {  	[tilespmem:s9], [sflag:$0x1] =	stream.indirect_vreg.gather [hbm4b:s6+s3], $0x80, v4, vm0, $0xb8;
	[tilespmem:$0x1E180] =	vst v63  }
0x3c: {  	s4 =	simm.s32 $0x5980  }
0x3d: {  	[tilespmem:s4], [sflag:$0x1] =	stream.indirect_vreg.gather [hbm4b:s7+s3], $0x80, v4, vm0, $0xb8;
	[tilespmem:$0x1E180] =	vst v63  }
0x3e: {  	s9 =	simm.s32 $0x6180  }
0x3f: {  	[tilespmem:s9], [sflag:$0x1] =	stream.indirect_vreg.gather [hbm4b:s2+s3], $0x80, v3, vm0, $0xb8;
	[tilespmem:$0x1E180] =	vst v63  }
0x40: {  	s4 =	simm.s32 $0x6980  }
0x41: {  	[tilespmem:s4], [sflag:$0x1] =	stream.indirect_vreg.gather [hbm4b:s5+s3], $0x80, v3, vm0, $0xb8;
	[tilespmem:$0x1E180] =	vst v63  }
0x42: {  	s9 =	simm.s32 $0x7180  }
0x43: {  	[tilespmem:s9], [sflag:$0x1] =	stream.indirect_vreg.gather [hbm4b:s6+s3], $0x80, v3, vm0, $0xb8;
	[tilespmem:$0x1E180] =	vst v63  }
0x44: {  	s4 =	simm.s32 $0x7980  }
0x45: {  	[tilespmem:s4], [sflag:$0x1] =	stream.indirect_vreg.gather [hbm4b:s7+s3], $0x80, v3, vm0, $0xb8;
	[tilespmem:$0x1E180] =	vst v63  }
0x46: {  	v3 =	vld.msk [tilespmem:$0x20], $0xff;
	_ =	sdelay $0x4  }
0x47: {  	v42 =	vshll.u32 v3, $0x3  }
0x48: {  	v3 =	vand.u32 $0x7, v3;
	v4 =	vand.u32 $0xFFFFFFC0, v42  }
0x49: {  	v3 =	vor.u32 v3, v4  }
0x4a: {  	v3 =	vperm.xlane v3, v0;
	_ =	sdelay $0x1  }
0x4b: {  	v3 =	vadd.s32 v1, v3;
	_ =	sdelay $0x3  }
0x4c: {  	s9 =	simm.s32 $0x8180  }
0x4d: {  	[tilespmem:s9], [sflag:$0x1] =	stream.indirect_vreg.gather [hbm4b:s2+s3], $0x80, v3, vm0, $0xb8;
	[tilespmem:$0x1E180] =	vst v63  }
0x4e: {  	s4 =	simm.s32 $0x8980  }
0x4f: {  	[tilespmem:s4], [sflag:$0x1] =	stream.indirect_vreg.gather [hbm4b:s5+s3], $0x80, v3, vm0, $0xb8;
	[tilespmem:$0x1E180] =	vst v63  }
0x50: {  	s9 =	simm.s32 $0x9180  }
0x51: {  	[tilespmem:s9], [sflag:$0x1] =	stream.indirect_vreg.gather [hbm4b:s6+s3], $0x80, v3, vm0, $0xb8;
	[tilespmem:$0x1E180] =	vst v63  }
0x52: {  	s4 =	simm.s32 $0x9980  }
0x53: {  	[tilespmem:s4], [sflag:$0x1] =	stream.indirect_vreg.gather [hbm4b:s7+s3], $0x80, v3, vm0, $0xb8;
	[tilespmem:$0x1E180] =	vst v63  }
0x54: {  	v3 =	vld [tilespmem:$0x28];
	_ =	sdelay $0x4  }
0x55: {  	v43 =	vshll.u32 v3, $0x3  }
0x56: {  	v3 =	vand.u32 $0x7, v3;
	v4 =	vand.u32 $0xFFFFFFC0, v43  }
0x57: {  	v3 =	vor.u32 v3, v4  }
0x58: {  	v4 =	vperm.xlane v3, v0;
	_ =	sdelay $0x1  }
0x59: {  	v4 =	vadd.s32 v1, v4;
	_ =	sdelay $0x3  }
0x5a: {  	s1 =	simm.s32 $0xA180  }
0x5b: {  	[tilespmem:s1], [sflag:$0x2] =	stream.indirect_vreg.gather [hbm4b:s2+s3], $0x80, v4, vm0, $0xb8;
	[tilespmem:$0x1E180] =	vst v63  }
0x5c: {  	s4 =	simm.s32 $0xA980;
	v3 =	vperm.xlane v3, v2  }
0x5d: {  	[tilespmem:s4], [sflag:$0x2] =	stream.indirect_vreg.gather [hbm4b:s5+s3], $0x80, v4, vm0, $0xb8;
	[tilespmem:$0x1E180] =	vst v63  }
0x5e: {  	s9 =	simm.s32 $0xB180;
	v3 =	vadd.s32 v1, v3  }
0x5f: {  	[tilespmem:s9], [sflag:$0x2] =	stream.indirect_vreg.gather [hbm4b:s6+s3], $0x80, v4, vm0, $0xb8;
	[tilespmem:$0x1E180] =	vst v63  }
0x60: {  	s9 =	simm.s32 $0xB980  }
0x61: {  	[tilespmem:s9], [sflag:$0x2] =	stream.indirect_vreg.gather [hbm4b:s7+s3], $0x80, v4, vm0, $0xb8;
	[tilespmem:$0x1E180] =	vst v63  }
0x62: {  	s9 =	simm.s32 $0xC180  }
0x63: {  	[tilespmem:s9], [sflag:$0x2] =	stream.indirect_vreg.gather [hbm4b:s2+s3], $0x80, v3, vm0, $0xb8;
	[tilespmem:$0x1E180] =	vst v63  }
0x64: {  	s9 =	simm.s32 $0xC980  }
0x65: {  	[tilespmem:s9], [sflag:$0x2] =	stream.indirect_vreg.gather [hbm4b:s5+s3], $0x80, v3, vm0, $0xb8;
	[tilespmem:$0x1E180] =	vst v63  }
0x66: {  	s9 =	simm.s32 $0xD180  }
0x67: {  	[tilespmem:s9], [sflag:$0x2] =	stream.indirect_vreg.gather [hbm4b:s6+s3], $0x80, v3, vm0, $0xb8;
	[tilespmem:$0x1E180] =	vst v63  }
0x68: {  	s9 =	simm.s32 $0xD980  }
0x69: {  	[tilespmem:s9], [sflag:$0x2] =	stream.indirect_vreg.gather [hbm4b:s7+s3], $0x80, v3, vm0, $0xb8;
	[tilespmem:$0x1E180] =	vst v63  }
0x6a: {  	v3 =	vld [tilespmem:$0x38];
	_ =	sdelay $0x4  }
0x6b: {  	v44 =	vshll.u32 v3, $0x3  }
0x6c: {  	v3 =	vand.u32 $0x7, v3;
	v4 =	vand.u32 $0xFFFFFFC0, v44  }
0x6d: {  	v3 =	vor.u32 v3, v4  }
0x6e: {  	v4 =	vperm.xlane v3, v0;
	_ =	sdelay $0x1  }
0x6f: {  	v4 =	vadd.s32 v1, v4;
	_ =	sdelay $0x3  }
0x70: {  	s9 =	simm.s32 $0xE180  }
0x71: {  	[tilespmem:s9], [sflag:$0x2] =	stream.indirect_vreg.gather [hbm4b:s2+s3], $0x80, v4, vm0, $0xb8;
	[tilespmem:$0x1E180] =	vst v63  }
0x72: {  	v3 =	vperm.xlane v3, v2;
	s9 =	simm.s32 $0xE980  }
0x73: {  	[tilespmem:s9], [sflag:$0x2] =	stream.indirect_vreg.gather [hbm4b:s5+s3], $0x80, v4, vm0, $0xb8;
	[tilespmem:$0x1E180] =	vst v63  }
0x74: {  	v3 =	vadd.s32 v1, v3;
	s9 =	simm.s32 $0xF180  }
0x75: {  	[tilespmem:s9], [sflag:$0x2] =	stream.indirect_vreg.gather [hbm4b:s6+s3], $0x80, v4, vm0, $0xb8;
	[tilespmem:$0x1E180] =	vst v63  }
0x76: {  	s9 =	simm.s32 $0xF980  }
0x77: {  	[tilespmem:s9], [sflag:$0x2] =	stream.indirect_vreg.gather [hbm4b:s7+s3], $0x80, v4, vm0, $0xb8;
	[tilespmem:$0x1E180] =	vst v63  }
0x78: {  	s9 =	simm.s32 $0x10180  }
0x79: {  	[tilespmem:s9], [sflag:$0x2] =	stream.indirect_vreg.gather [hbm4b:s2+s3], $0x80, v3, vm0, $0xb8;
	[tilespmem:$0x1E180] =	vst v63  }
0x7a: {  	s9 =	simm.s32 $0x10980  }
0x7b: {  	[tilespmem:s9], [sflag:$0x2] =	stream.indirect_vreg.gather [hbm4b:s5+s3], $0x80, v3, vm0, $0xb8;
	[tilespmem:$0x1E180] =	vst v63  }
0x7c: {  	s9 =	simm.s32 $0x11180  }
0x7d: {  	[tilespmem:s9], [sflag:$0x2] =	stream.indirect_vreg.gather [hbm4b:s6+s3], $0x80, v3, vm0, $0xb8;
	[tilespmem:$0x1E180] =	vst v63  }
0x7e: {  	s9 =	simm.s32 $0x11980  }
0x7f: {  	[tilespmem:s9], [sflag:$0x2] =	stream.indirect_vreg.gather [hbm4b:s7+s3], $0x80, v3, vm0, $0xb8;
	[tilespmem:$0x1E180] =	vst v63  }
0x80: {  	v3 =	vld.msk [tilespmem:$0x48], $0xff;
	_ =	sdelay $0x4  }
0x81: {  	v45 =	vshll.u32 v3, $0x3  }
0x82: {  	v3 =	vand.u32 $0x7, v3;
	v4 =	vand.u32 $0xFFFFFFC0, v45  }
0x83: {  	v3 =	vor.u32 v3, v4  }
0x84: {  	v3 =	vperm.xlane v3, v0;
	_ =	sdelay $0x1  }
0x85: {  	v3 =	vadd.s32 v1, v3;
	_ =	sdelay $0x3  }
0x86: {  	s9 =	simm.s32 $0x12180  }
0x87: {  	[tilespmem:s9], [sflag:$0x2] =	stream.indirect_vreg.gather [hbm4b:s2+s3], $0x80, v3, vm0, $0xb8;
	[tilespmem:$0x1E180] =	vst v63  }
0x88: {  	s9 =	simm.s32 $0x12980  }
0x89: {  	[tilespmem:s9], [sflag:$0x2] =	stream.indirect_vreg.gather [hbm4b:s5+s3], $0x80, v3, vm0, $0xb8;
	[tilespmem:$0x1E180] =	vst v63  }
0x8a: {  	s9 =	simm.s32 $0x13180  }
0x8b: {  	[tilespmem:s9], [sflag:$0x2] =	stream.indirect_vreg.gather [hbm4b:s6+s3], $0x80, v3, vm0, $0xb8;
	[tilespmem:$0x1E180] =	vst v63  }
0x8c: {  	s9 =	simm.s32 $0x13980  }
0x8d: {  	[tilespmem:s9], [sflag:$0x2] =	stream.indirect_vreg.gather [hbm4b:s7+s3], $0x80, v3, vm0, $0xb8;
	[tilespmem:$0x1E180] =	vst v63  }
0x8e: {  	_ =	swait.ge [sflag:s11], $0xA000  }
0x8f: {  	[sflag:s11] =	ssyncset.done $0x0  }
0x90: {  	s4 =	rddreg [dreg:$0xb];
	[sflag:s11] =	ssyncadd.s32 $0xFFFF6000  }
0x91: {  	[hbm4b:s4+s3] =	stream.linear.scatter [tilespmem:s31], [sflag:$0x4], $0xA000, $0x38;
	[tilespmem:$0x1E180] =	vst v63  }
0x92: {  	v3 =	vld [tilespmem:$0x50];
	_ =	sdelay $0x4  }
0x93: {  	v46 =	vshll.u32 v3, $0x3  }
0x94: {  	v3 =	vand.u32 $0x7, v3;
	v4 =	vand.u32 $0xFFFFFFC0, v46  }
0x95: {  	v3 =	vor.u32 v3, v4  }
0x96: {  	v4 =	vperm.xlane v3, v0;
	_ =	sdelay $0x1  }
0x97: {  	v4 =	vadd.s32 v1, v4;
	_ =	sdelay $0x4  }
0x98: {  	[tilespmem:s10], [sflag:$0x3] =	stream.indirect_vreg.gather [hbm4b:s2+s3], $0x80, v4, vm0, $0xb8;
	[tilespmem:$0x1E180] =	vst v63  }
0x99: {  	s9 =	simm.s32 $0x14980;
	v3 =	vperm.xlane v3, v2  }
0x9a: {  	[tilespmem:s9], [sflag:$0x3] =	stream.indirect_vreg.gather [hbm4b:s5+s3], $0x80, v4, vm0, $0xb8;
	[tilespmem:$0x1E180] =	vst v63  }
0x9b: {  	v3 =	vadd.s32 v1, v3  }
0x9c: {  	[tilespmem:s12], [sflag:$0x3] =	stream.indirect_vreg.gather [hbm4b:s6+s3], $0x80, v4, vm0, $0xb8;
	[tilespmem:$0x1E180] =	vst v63  }
0x9d: {  	_ = 	snop  }
0x9e: {  	[tilespmem:s13], [sflag:$0x3] =	stream.indirect_vreg.gather [hbm4b:s7+s3], $0x80, v4, vm0, $0xb8;
	[tilespmem:$0x1E180] =	vst v63  }
0x9f: {  	_ = 	snop  }
0xa0: {  	[tilespmem:s14], [sflag:$0x3] =	stream.indirect_vreg.gather [hbm4b:s2+s3], $0x80, v3, vm0, $0xb8;
	[tilespmem:$0x1E180] =	vst v63  }
0xa1: {  	_ = 	snop  }
0xa2: {  	[tilespmem:s15], [sflag:$0x3] =	stream.indirect_vreg.gather [hbm4b:s5+s3], $0x80, v3, vm0, $0xb8;
	[tilespmem:$0x1E180] =	vst v63  }
0xa3: {  	_ = 	snop  }
0xa4: {  	[tilespmem:s16], [sflag:$0x3] =	stream.indirect_vreg.gather [hbm4b:s6+s3], $0x80, v3, vm0, $0xb8;
	[tilespmem:$0x1E180] =	vst v63  }
0xa5: {  	_ = 	snop  }
0xa6: {  	[tilespmem:s17], [sflag:$0x3] =	stream.indirect_vreg.gather [hbm4b:s7+s3], $0x80, v3, vm0, $0xb8;
	[tilespmem:$0x1E180] =	vst v63  }
0xa7: {  	v3 =	vld [tilespmem:$0x60];
	_ =	sdelay $0x4  }
0xa8: {  	v47 =	vshll.u32 v3, $0x3  }
0xa9: {  	v3 =	vand.u32 $0x7, v3;
	v4 =	vand.u32 $0xFFFFFFC0, v47  }
0xaa: {  	v3 =	vor.u32 v3, v4  }
0xab: {  	v4 =	vperm.xlane v3, v0;
	_ =	sdelay $0x1  }
0xac: {  	v4 =	vadd.s32 v1, v4;
	_ =	sdelay $0x4  }
0xad: {  	[tilespmem:s18], [sflag:$0x3] =	stream.indirect_vreg.gather [hbm4b:s2+s3], $0x80, v4, vm0, $0xb8;
	[tilespmem:$0x1E180] =	vst v63  }
0xae: {  	v3 =	vperm.xlane v3, v2  }
0xaf: {  	[tilespmem:s19], [sflag:$0x3] =	stream.indirect_vreg.gather [hbm4b:s5+s3], $0x80, v4, vm0, $0xb8;
	[tilespmem:$0x1E180] =	vst v63  }
0xb0: {  	v3 =	vadd.s32 v1, v3  }
0xb1: {  	[tilespmem:s20], [sflag:$0x3] =	stream.indirect_vreg.gather [hbm4b:s6+s3], $0x80, v4, vm0, $0xb8;
	[tilespmem:$0x1E180] =	vst v63  }
0xb2: {  	_ = 	snop  }
0xb3: {  	[tilespmem:s21], [sflag:$0x3] =	stream.indirect_vreg.gather [hbm4b:s7+s3], $0x80, v4, vm0, $0xb8;
	[tilespmem:$0x1E180] =	vst v63  }
0xb4: {  	_ = 	snop  }
0xb5: {  	[tilespmem:s22], [sflag:$0x3] =	stream.indirect_vreg.gather [hbm4b:s2+s3], $0x80, v3, vm0, $0xb8;
	[tilespmem:$0x1E180] =	vst v63  }
0xb6: {  	_ = 	snop  }
0xb7: {  	[tilespmem:s23], [sflag:$0x3] =	stream.indirect_vreg.gather [hbm4b:s5+s3], $0x80, v3, vm0, $0xb8;
	[tilespmem:$0x1E180] =	vst v63  }
0xb8: {  	_ = 	snop  }
0xb9: {  	[tilespmem:s24], [sflag:$0x3] =	stream.indirect_vreg.gather [hbm4b:s6+s3], $0x80, v3, vm0, $0xb8;
	[tilespmem:$0x1E180] =	vst v63  }
0xba: {  	_ = 	snop  }
0xbb: {  	[tilespmem:s25], [sflag:$0x3] =	stream.indirect_vreg.gather [hbm4b:s7+s3], $0x80, v3, vm0, $0xb8;
	[tilespmem:$0x1E180] =	vst v63  }
0xbc: {  	v3 =	vld.msk [tilespmem:$0x70], $0xff;
	_ =	sdelay $0x4  }
0xbd: {  	v48 =	vshll.u32 v3, $0x3  }
0xbe: {  	v3 =	vand.u32 $0x7, v3;
	v4 =	vand.u32 $0xFFFFFFC0, v48  }
0xbf: {  	v3 =	vor.u32 v3, v4  }
0xc0: {  	v3 =	vperm.xlane v3, v0;
	_ =	sdelay $0x1  }
0xc1: {  	v3 =	vadd.s32 v1, v3;
	_ =	sdelay $0x4  }
0xc2: {  	[tilespmem:s28], [sflag:$0x3] =	stream.indirect_vreg.gather [hbm4b:s2+s3], $0x80, v3, vm0, $0xb8;
	[tilespmem:$0x1E180] =	vst v63  }
0xc3: {  	s9 =	simm.s32 $0x1C980  }
0xc4: {  	[tilespmem:s9], [sflag:$0x3] =	stream.indirect_vreg.gather [hbm4b:s5+s3], $0x80, v3, vm0, $0xb8;
	[tilespmem:$0x1E180] =	vst v63  }
0xc5: {  	s9 =	simm.s32 $0x1D180  }
0xc6: {  	[tilespmem:s9], [sflag:$0x3] =	stream.indirect_vreg.gather [hbm4b:s6+s3], $0x80, v3, vm0, $0xb8;
	[tilespmem:$0x1E180] =	vst v63  }
0xc7: {  	s9 =	simm.s32 $0x1D980  }
0xc8: {  	[tilespmem:s9], [sflag:$0x3] =	stream.indirect_vreg.gather [hbm4b:s7+s3], $0x80, v3, vm0, $0xb8;
	[tilespmem:$0x1E180] =	vst v63  }
0xc9: {  	_ =	swait.ge [sflag:s29], $0xA000  }
0xca: {  	[sflag:s29] =	ssyncset.done $0x0  }
0xcb: {  	s4 =	rddreg [dreg:$0x4];
	[sflag:s29] =	ssyncadd.s32 $0xFFFF6000  }
0xcc: {  	[hbm4b:s4+s3] =	stream.linear.scatter [tilespmem:s1], [sflag:$0x5], $0xA000, $0x38;
	[tilespmem:$0x1E180] =	vst v63  }
0xcd: {  	_ =	swait.ge [sflag:s30], $0xA000  }
0xce: {  	[sflag:s30] =	ssyncset.done $0x0  }
0xcf: {  	[sflag:s30] =	ssyncadd.s32 $0xFFFF6000  }
0xd0: {  	v3 =	vld [tilespmem:$0x78];
	_ =	sdelay $0x4  }
0xd1: {  	v49 =	vshll.u32 v3, $0x3  }
0xd2: {  	v3 =	vand.u32 $0x7, v3;
	v4 =	vand.u32 $0xFFFFFFC0, v49  }
0xd3: {  	v3 =	vor.u32 v3, v4  }
0xd4: {  	v4 =	vperm.xlane v3, v0;
	_ =	sdelay $0x1  }
0xd5: {  	v4 =	vadd.s32 v1, v4;
	_ =	sdelay $0x4  }
0xd6: {  	[tilespmem:s31], [sflag:$0x1] =	stream.indirect_vreg.gather [hbm4b:s2+s3], $0x80, v4, vm0, $0xb8;
	[tilespmem:$0x1E180] =	vst v63  }
0xd7: {  	s26 =	simm.s32 $0x980;
	v3 =	vperm.xlane v3, v2  }
0xd8: {  	[tilespmem:s26], [sflag:$0x1] =	stream.indirect_vreg.gather [hbm4b:s5+s3], $0x80, v4, vm0, $0xb8;
	[tilespmem:$0x1E180] =	vst v63  }
0xd9: {  	s9 =	simm.s32 $0x1180;
	v3 =	vadd.s32 v1, v3  }
0xda: {  	[tilespmem:s9], [sflag:$0x1] =	stream.indirect_vreg.gather [hbm4b:s6+s3], $0x80, v4, vm0, $0xb8;
	[tilespmem:$0x1E180] =	vst v63  }
0xdb: {  	s26 =	simm.s32 $0x1980  }
0xdc: {  	[tilespmem:s26], [sflag:$0x1] =	stream.indirect_vreg.gather [hbm4b:s7+s3], $0x80, v4, vm0, $0xb8;
	[tilespmem:$0x1E180] =	vst v63  }
0xdd: {  	s9 =	simm.s32 $0x2180  }
0xde: {  	[tilespmem:s9], [sflag:$0x1] =	stream.indirect_vreg.gather [hbm4b:s2+s3], $0x80, v3, vm0, $0xb8;
	[tilespmem:$0x1E180] =	vst v63  }
0xdf: {  	s26 =	simm.s32 $0x2980  }
0xe0: {  	[tilespmem:s26], [sflag:$0x1] =	stream.indirect_vreg.gather [hbm4b:s5+s3], $0x80, v3, vm0, $0xb8;
	[tilespmem:$0x1E180] =	vst v63  }
0xe1: {  	s9 =	simm.s32 $0x3180  }
0xe2: {  	[tilespmem:s9], [sflag:$0x1] =	stream.indirect_vreg.gather [hbm4b:s6+s3], $0x80, v3, vm0, $0xb8;
	[tilespmem:$0x1E180] =	vst v63  }
0xe3: {  	s26 =	simm.s32 $0x3980  }
0xe4: {  	[tilespmem:s26], [sflag:$0x1] =	stream.indirect_vreg.gather [hbm4b:s7+s3], $0x80, v3, vm0, $0xb8;
	[tilespmem:$0x1E180] =	vst v63  }
0xe5: {  	v3 =	vld [tilespmem:$0x88];
	_ =	sdelay $0x4  }
0xe6: {  	v50 =	vshll.u32 v3, $0x3  }
0xe7: {  	v3 =	vand.u32 $0x7, v3;
	v4 =	vand.u32 $0xFFFFFFC0, v50  }
0xe8: {  	v3 =	vor.u32 v3, v4  }
0xe9: {  	v4 =	vperm.xlane v3, v0;
	_ =	sdelay $0x1  }
0xea: {  	v4 =	vadd.s32 v1, v4;
	_ =	sdelay $0x3  }
0xeb: {  	s9 =	simm.s32 $0x4180  }
0xec: {  	[tilespmem:s9], [sflag:$0x1] =	stream.indirect_vreg.gather [hbm4b:s2+s3], $0x80, v4, vm0, $0xb8;
	[tilespmem:$0x1E180] =	vst v63  }
0xed: {  	s26 =	simm.s32 $0x4980;
	v3 =	vperm.xlane v3, v2  }
0xee: {  	[tilespmem:s26], [sflag:$0x1] =	stream.indirect_vreg.gather [hbm4b:s5+s3], $0x80, v4, vm0, $0xb8;
	[tilespmem:$0x1E180] =	vst v63  }
0xef: {  	v3 =	vadd.s32 v1, v3;
	s9 =	simm.s32 $0x5180  }
0xf0: {  	[tilespmem:s9], [sflag:$0x1] =	stream.indirect_vreg.gather [hbm4b:s6+s3], $0x80, v4, vm0, $0xb8;
	[tilespmem:$0x1E180] =	vst v63  }
0xf1: {  	s26 =	simm.s32 $0x5980  }
0xf2: {  	[tilespmem:s26], [sflag:$0x1] =	stream.indirect_vreg.gather [hbm4b:s7+s3], $0x80, v4, vm0, $0xb8;
	[tilespmem:$0x1E180] =	vst v63  }
0xf3: {  	s9 =	simm.s32 $0x6180  }
0xf4: {  	[tilespmem:s9], [sflag:$0x1] =	stream.indirect_vreg.gather [hbm4b:s2+s3], $0x80, v3, vm0, $0xb8;
	[tilespmem:$0x1E180] =	vst v63  }
0xf5: {  	s26 =	simm.s32 $0x6980  }
0xf6: {  	[tilespmem:s26], [sflag:$0x1] =	stream.indirect_vreg.gather [hbm4b:s5+s3], $0x80, v3, vm0, $0xb8;
	[tilespmem:$0x1E180] =	vst v63  }
0xf7: {  	s9 =	simm.s32 $0x7180  }
0xf8: {  	[tilespmem:s9], [sflag:$0x1] =	stream.indirect_vreg.gather [hbm4b:s6+s3], $0x80, v3, vm0, $0xb8;
	[tilespmem:$0x1E180] =	vst v63  }
0xf9: {  	s26 =	simm.s32 $0x7980  }
0xfa: {  	[tilespmem:s26], [sflag:$0x1] =	stream.indirect_vreg.gather [hbm4b:s7+s3], $0x80, v3, vm0, $0xb8;
	[tilespmem:$0x1E180] =	vst v63  }
0xfb: {  	v3 =	vld.msk [tilespmem:$0x98], $0xff;
	_ =	sdelay $0x4  }
0xfc: {  	v51 =	vshll.u32 v3, $0x3  }
0xfd: {  	v3 =	vand.u32 $0x7, v3;
	v4 =	vand.u32 $0xFFFFFFC0, v51  }
0xfe: {  	v3 =	vor.u32 v3, v4  }
0xff: {  	v3 =	vperm.xlane v3, v0;
	_ =	sdelay $0x1  }
0x100: {  	v3 =	vadd.s32 v1, v3;
	_ =	sdelay $0x3  }
0x101: {  	s9 =	simm.s32 $0x8180  }
0x102: {  	[tilespmem:s9], [sflag:$0x1] =	stream.indirect_vreg.gather [hbm4b:s2+s3], $0x80, v3, vm0, $0xb8;
	[tilespmem:$0x1E180] =	vst v63  }
0x103: {  	s26 =	simm.s32 $0x8980  }
0x104: {  	[tilespmem:s26], [sflag:$0x1] =	stream.indirect_vreg.gather [hbm4b:s5+s3], $0x80, v3, vm0, $0xb8;
	[tilespmem:$0x1E180] =	vst v63  }
0x105: {  	s9 =	simm.s32 $0x9180  }
0x106: {  	[tilespmem:s9], [sflag:$0x1] =	stream.indirect_vreg.gather [hbm4b:s6+s3], $0x80, v3, vm0, $0xb8;
	[tilespmem:$0x1E180] =	vst v63  }
0x107: {  	s26 =	simm.s32 $0x9980  }
0x108: {  	[tilespmem:s26], [sflag:$0x1] =	stream.indirect_vreg.gather [hbm4b:s7+s3], $0x80, v3, vm0, $0xb8;
	[tilespmem:$0x1E180] =	vst v63  }
0x109: {  	s26 =	simm.s32 $0x3  }
0x10a: {  	_ =	swait.ge [sflag:s26], $0xA000  }
0x10b: {  	[sflag:s26] =	ssyncset.done $0x0  }
0x10c: {  	s4 =	rddreg [dreg:$0x5];
	[sflag:s26] =	ssyncadd.s32 $0xFFFF6000  }
0x10d: {  	[hbm4b:s4+s3] =	stream.linear.scatter [tilespmem:s10], [sflag:$0x6], $0xA000, $0x38;
	[tilespmem:$0x1E180] =	vst v63  }
0x10e: {  	_ =	swait.ge [sflag:s0], $0xA000  }
0x10f: {  	[sflag:s0] =	ssyncset.done $0x0  }
0x110: {  	[sflag:s0] =	ssyncadd.s32 $0xFFFF6000  }
0x111: {  	v3 =	vld [tilespmem:$0xA0];
	_ =	sdelay $0x4  }
0x112: {  	v52 =	vshll.u32 v3, $0x3  }
0x113: {  	v3 =	vand.u32 $0x7, v3;
	v4 =	vand.u32 $0xFFFFFFC0, v52  }
0x114: {  	v3 =	vor.u32 v3, v4  }
0x115: {  	v4 =	vperm.xlane v3, v0;
	_ =	sdelay $0x1  }
0x116: {  	v4 =	vadd.s32 v1, v4;
	_ =	sdelay $0x4  }
0x117: {  	[tilespmem:s1], [sflag:$0x2] =	stream.indirect_vreg.gather [hbm4b:s2+s3], $0x80, v4, vm0, $0xb8;
	[tilespmem:$0x1E180] =	vst v63  }
0x118: {  	s9 =	simm.s32 $0xA980;
	v3 =	vperm.xlane v3, v2  }
0x119: {  	[tilespmem:s9], [sflag:$0x2] =	stream.indirect_vreg.gather [hbm4b:s5+s3], $0x80, v4, vm0, $0xb8;
	[tilespmem:$0x1E180] =	vst v63  }
0x11a: {  	v3 =	vadd.s32 v1, v3;
	s9 =	simm.s32 $0xB180  }
0x11b: {  	[tilespmem:s9], [sflag:$0x2] =	stream.indirect_vreg.gather [hbm4b:s6+s3], $0x80, v4, vm0, $0xb8;
	[tilespmem:$0x1E180] =	vst v63  }
0x11c: {  	s9 =	simm.s32 $0xB980  }
0x11d: {  	[tilespmem:s9], [sflag:$0x2] =	stream.indirect_vreg.gather [hbm4b:s7+s3], $0x80, v4, vm0, $0xb8;
	[tilespmem:$0x1E180] =	vst v63  }
0x11e: {  	s9 =	simm.s32 $0xC180  }
0x11f: {  	[tilespmem:s9], [sflag:$0x2] =	stream.indirect_vreg.gather [hbm4b:s2+s3], $0x80, v3, vm0, $0xb8;
	[tilespmem:$0x1E180] =	vst v63  }
0x120: {  	s9 =	simm.s32 $0xC980  }
0x121: {  	[tilespmem:s9], [sflag:$0x2] =	stream.indirect_vreg.gather [hbm4b:s5+s3], $0x80, v3, vm0, $0xb8;
	[tilespmem:$0x1E180] =	vst v63  }
0x122: {  	s9 =	simm.s32 $0xD180  }
0x123: {  	[tilespmem:s9], [sflag:$0x2] =	stream.indirect_vreg.gather [hbm4b:s6+s3], $0x80, v3, vm0, $0xb8;
	[tilespmem:$0x1E180] =	vst v63  }
0x124: {  	s9 =	simm.s32 $0xD980  }
0x125: {  	[tilespmem:s9], [sflag:$0x2] =	stream.indirect_vreg.gather [hbm4b:s7+s3], $0x80, v3, vm0, $0xb8;
	[tilespmem:$0x1E180] =	vst v63  }
0x126: {  	v3 =	vld [tilespmem:$0xB0];
	_ =	sdelay $0x4  }
0x127: {  	v53 =	vshll.u32 v3, $0x3  }
0x128: {  	v3 =	vand.u32 $0x7, v3;
	v4 =	vand.u32 $0xFFFFFFC0, v53  }
0x129: {  	v3 =	vor.u32 v3, v4  }
0x12a: {  	v4 =	vperm.xlane v3, v0;
	_ =	sdelay $0x1  }
0x12b: {  	v4 =	vadd.s32 v1, v4;
	_ =	sdelay $0x3  }
0x12c: {  	s9 =	simm.s32 $0xE180  }
0x12d: {  	[tilespmem:s9], [sflag:$0x2] =	stream.indirect_vreg.gather [hbm4b:s2+s3], $0x80, v4, vm0, $0xb8;
	[tilespmem:$0x1E180] =	vst v63  }
0x12e: {  	v3 =	vperm.xlane v3, v2;
	s9 =	simm.s32 $0xE980  }
0x12f: {  	[tilespmem:s9], [sflag:$0x2] =	stream.indirect_vreg.gather [hbm4b:s5+s3], $0x80, v4, vm0, $0xb8;
	[tilespmem:$0x1E180] =	vst v63  }
0x130: {  	v3 =	vadd.s32 v1, v3;
	s9 =	simm.s32 $0xF180  }
0x131: {  	[tilespmem:s9], [sflag:$0x2] =	stream.indirect_vreg.gather [hbm4b:s6+s3], $0x80, v4, vm0, $0xb8;
	[tilespmem:$0x1E180] =	vst v63  }
0x132: {  	s9 =	simm.s32 $0xF980  }
0x133: {  	[tilespmem:s9], [sflag:$0x2] =	stream.indirect_vreg.gather [hbm4b:s7+s3], $0x80, v4, vm0, $0xb8;
	[tilespmem:$0x1E180] =	vst v63  }
0x134: {  	s9 =	simm.s32 $0x10180  }
0x135: {  	[tilespmem:s9], [sflag:$0x2] =	stream.indirect_vreg.gather [hbm4b:s2+s3], $0x80, v3, vm0, $0xb8;
	[tilespmem:$0x1E180] =	vst v63  }
0x136: {  	s9 =	simm.s32 $0x10980  }
0x137: {  	[tilespmem:s9], [sflag:$0x2] =	stream.indirect_vreg.gather [hbm4b:s5+s3], $0x80, v3, vm0, $0xb8;
	[tilespmem:$0x1E180] =	vst v63  }
0x138: {  	s9 =	simm.s32 $0x11180  }
0x139: {  	[tilespmem:s9], [sflag:$0x2] =	stream.indirect_vreg.gather [hbm4b:s6+s3], $0x80, v3, vm0, $0xb8;
	[tilespmem:$0x1E180] =	vst v63  }
0x13a: {  	s9 =	simm.s32 $0x11980  }
0x13b: {  	[tilespmem:s9], [sflag:$0x2] =	stream.indirect_vreg.gather [hbm4b:s7+s3], $0x80, v3, vm0, $0xb8;
	[tilespmem:$0x1E180] =	vst v63  }
0x13c: {  	v3 =	vld.msk [tilespmem:$0xC0], $0xff;
	_ =	sdelay $0x4  }
0x13d: {  	v54 =	vshll.u32 v3, $0x3  }
0x13e: {  	v3 =	vand.u32 $0x7, v3;
	v4 =	vand.u32 $0xFFFFFFC0, v54  }
0x13f: {  	v3 =	vor.u32 v3, v4  }
0x140: {  	v3 =	vperm.xlane v3, v0;
	_ =	sdelay $0x1  }
0x141: {  	v3 =	vadd.s32 v1, v3;
	_ =	sdelay $0x3  }
0x142: {  	s9 =	simm.s32 $0x12180  }
0x143: {  	[tilespmem:s9], [sflag:$0x2] =	stream.indirect_vreg.gather [hbm4b:s2+s3], $0x80, v3, vm0, $0xb8;
	[tilespmem:$0x1E180] =	vst v63  }
0x144: {  	s9 =	simm.s32 $0x12980  }
0x145: {  	[tilespmem:s9], [sflag:$0x2] =	stream.indirect_vreg.gather [hbm4b:s5+s3], $0x80, v3, vm0, $0xb8;
	[tilespmem:$0x1E180] =	vst v63  }
0x146: {  	s9 =	simm.s32 $0x13180  }
0x147: {  	[tilespmem:s9], [sflag:$0x2] =	stream.indirect_vreg.gather [hbm4b:s6+s3], $0x80, v3, vm0, $0xb8;
	[tilespmem:$0x1E180] =	vst v63  }
0x148: {  	s9 =	simm.s32 $0x13980  }
0x149: {  	[tilespmem:s9], [sflag:$0x2] =	stream.indirect_vreg.gather [hbm4b:s7+s3], $0x80, v3, vm0, $0xb8;
	[tilespmem:$0x1E180] =	vst v63  }
0x14a: {  	_ =	swait.ge [sflag:s11], $0xA000  }
0x14b: {  	[sflag:s11] =	ssyncset.done $0x0  }
0x14c: {  	s4 =	rddreg [dreg:$0x6];
	[sflag:s11] =	ssyncadd.s32 $0xFFFF6000  }
0x14d: {  	[hbm4b:s4+s3] =	stream.linear.scatter [tilespmem:s31], [sflag:$0x4], $0xA000, $0x38;
	[tilespmem:$0x1E180] =	vst v63  }
0x14e: {  	s4 =	simm.s32 $0x6  }
0x14f: {  	_ =	swait.ge [sflag:s4], $0xA000  }
0x150: {  	[sflag:s4] =	ssyncset.done $0x0  }
0x151: {  	[sflag:s4] =	ssyncadd.s32 $0xFFFF6000  }
0x152: {  	v3 =	vld [tilespmem:$0xC8];
	_ =	sdelay $0x4  }
0x153: {  	v55 =	vshll.u32 v3, $0x3  }
0x154: {  	v3 =	vand.u32 $0x7, v3;
	v4 =	vand.u32 $0xFFFFFFC0, v55  }
0x155: {  	v3 =	vor.u32 v3, v4  }
0x156: {  	v4 =	vperm.xlane v3, v0;
	_ =	sdelay $0x1  }
0x157: {  	v4 =	vadd.s32 v1, v4;
	_ =	sdelay $0x4  }
0x158: {  	[tilespmem:s10], [sflag:$0x3] =	stream.indirect_vreg.gather [hbm4b:s2+s3], $0x80, v4, vm0, $0xb8;
	[tilespmem:$0x1E180] =	vst v63  }
0x159: {  	s9 =	simm.s32 $0x14980;
	v3 =	vperm.xlane v3, v2  }
0x15a: {  	[tilespmem:s9], [sflag:$0x3] =	stream.indirect_vreg.gather [hbm4b:s5+s3], $0x80, v4, vm0, $0xb8;
	[tilespmem:$0x1E180] =	vst v63  }
0x15b: {  	v3 =	vadd.s32 v1, v3  }
0x15c: {  	[tilespmem:s12], [sflag:$0x3] =	stream.indirect_vreg.gather [hbm4b:s6+s3], $0x80, v4, vm0, $0xb8;
	[tilespmem:$0x1E180] =	vst v63  }
0x15d: {  	_ = 	snop  }
0x15e: {  	[tilespmem:s13], [sflag:$0x3] =	stream.indirect_vreg.gather [hbm4b:s7+s3], $0x80, v4, vm0, $0xb8;
	[tilespmem:$0x1E180] =	vst v63  }
0x15f: {  	_ = 	snop  }
0x160: {  	[tilespmem:s14], [sflag:$0x3] =	stream.indirect_vreg.gather [hbm4b:s2+s3], $0x80, v3, vm0, $0xb8;
	[tilespmem:$0x1E180] =	vst v63  }
0x161: {  	_ = 	snop  }
0x162: {  	[tilespmem:s15], [sflag:$0x3] =	stream.indirect_vreg.gather [hbm4b:s5+s3], $0x80, v3, vm0, $0xb8;
	[tilespmem:$0x1E180] =	vst v63  }
0x163: {  	_ = 	snop  }
0x164: {  	[tilespmem:s16], [sflag:$0x3] =	stream.indirect_vreg.gather [hbm4b:s6+s3], $0x80, v3, vm0, $0xb8;
	[tilespmem:$0x1E180] =	vst v63  }
0x165: {  	_ = 	snop  }
0x166: {  	[tilespmem:s17], [sflag:$0x3] =	stream.indirect_vreg.gather [hbm4b:s7+s3], $0x80, v3, vm0, $0xb8;
	[tilespmem:$0x1E180] =	vst v63  }
0x167: {  	v3 =	vld [tilespmem:$0xD8];
	_ =	sdelay $0x4  }
0x168: {  	v56 =	vshll.u32 v3, $0x3  }
0x169: {  	v3 =	vand.u32 $0x7, v3;
	v4 =	vand.u32 $0xFFFFFFC0, v56  }
0x16a: {  	v3 =	vor.u32 v3, v4  }
0x16b: {  	v4 =	vperm.xlane v3, v0;
	_ =	sdelay $0x1  }
0x16c: {  	v4 =	vadd.s32 v1, v4;
	_ =	sdelay $0x4  }
0x16d: {  	[tilespmem:s18], [sflag:$0x3] =	stream.indirect_vreg.gather [hbm4b:s2+s3], $0x80, v4, vm0, $0xb8;
	[tilespmem:$0x1E180] =	vst v63  }
0x16e: {  	v3 =	vperm.xlane v3, v2  }
0x16f: {  	[tilespmem:s19], [sflag:$0x3] =	stream.indirect_vreg.gather [hbm4b:s5+s3], $0x80, v4, vm0, $0xb8;
	[tilespmem:$0x1E180] =	vst v63  }
0x170: {  	v3 =	vadd.s32 v1, v3  }
0x171: {  	[tilespmem:s20], [sflag:$0x3] =	stream.indirect_vreg.gather [hbm4b:s6+s3], $0x80, v4, vm0, $0xb8;
	[tilespmem:$0x1E180] =	vst v63  }
0x172: {  	_ = 	snop  }
0x173: {  	[tilespmem:s21], [sflag:$0x3] =	stream.indirect_vreg.gather [hbm4b:s7+s3], $0x80, v4, vm0, $0xb8;
	[tilespmem:$0x1E180] =	vst v63  }
0x174: {  	_ = 	snop  }
0x175: {  	[tilespmem:s22], [sflag:$0x3] =	stream.indirect_vreg.gather [hbm4b:s2+s3], $0x80, v3, vm0, $0xb8;
	[tilespmem:$0x1E180] =	vst v63  }
0x176: {  	_ = 	snop  }
0x177: {  	[tilespmem:s23], [sflag:$0x3] =	stream.indirect_vreg.gather [hbm4b:s5+s3], $0x80, v3, vm0, $0xb8;
	[tilespmem:$0x1E180] =	vst v63  }
0x178: {  	_ = 	snop  }
0x179: {  	[tilespmem:s24], [sflag:$0x3] =	stream.indirect_vreg.gather [hbm4b:s6+s3], $0x80, v3, vm0, $0xb8;
	[tilespmem:$0x1E180] =	vst v63  }
0x17a: {  	_ = 	snop  }
0x17b: {  	[tilespmem:s25], [sflag:$0x3] =	stream.indirect_vreg.gather [hbm4b:s7+s3], $0x80, v3, vm0, $0xb8;
	[tilespmem:$0x1E180] =	vst v63  }
0x17c: {  	v3 =	vld.msk [tilespmem:$0xE8], $0xff;
	_ =	sdelay $0x4  }
0x17d: {  	v57 =	vshll.u32 v3, $0x3  }
0x17e: {  	v3 =	vand.u32 $0x7, v3;
	v4 =	vand.u32 $0xFFFFFFC0, v57  }
0x17f: {  	v3 =	vor.u32 v3, v4  }
0x180: {  	v3 =	vperm.xlane v3, v0;
	_ =	sdelay $0x1  }
0x181: {  	v3 =	vadd.s32 v1, v3;
	_ =	sdelay $0x4  }
0x182: {  	[tilespmem:s28], [sflag:$0x3] =	stream.indirect_vreg.gather [hbm4b:s2+s3], $0x80, v3, vm0, $0xb8;
	[tilespmem:$0x1E180] =	vst v63  }
0x183: {  	s9 =	simm.s32 $0x1C980  }
0x184: {  	[tilespmem:s9], [sflag:$0x3] =	stream.indirect_vreg.gather [hbm4b:s5+s3], $0x80, v3, vm0, $0xb8;
	[tilespmem:$0x1E180] =	vst v63  }
0x185: {  	s9 =	simm.s32 $0x1D180  }
0x186: {  	[tilespmem:s9], [sflag:$0x3] =	stream.indirect_vreg.gather [hbm4b:s6+s3], $0x80, v3, vm0, $0xb8;
	[tilespmem:$0x1E180] =	vst v63  }
0x187: {  	s9 =	simm.s32 $0x1D980  }
0x188: {  	[tilespmem:s9], [sflag:$0x3] =	stream.indirect_vreg.gather [hbm4b:s7+s3], $0x80, v3, vm0, $0xb8;
	[tilespmem:$0x1E180] =	vst v63  }
0x189: {  	_ =	swait.ge [sflag:s29], $0xA000  }
0x18a: {  	[sflag:s29] =	ssyncset.done $0x0  }
0x18b: {  	s9 =	rddreg [dreg:$0x7];
	[sflag:s29] =	ssyncadd.s32 $0xFFFF6000  }
0x18c: {  	[hbm4b:s9+s3] =	stream.linear.scatter [tilespmem:s1], [sflag:$0x5], $0xA000, $0x38;
	[tilespmem:$0x1E180] =	vst v63  }
0x18d: {  	_ =	swait.ge [sflag:s30], $0xA000  }
0x18e: {  	[sflag:s30] =	ssyncset.done $0x0  }
0x18f: {  	[sflag:s30] =	ssyncadd.s32 $0xFFFF6000  }
0x190: {  	v3 =	vld [tilespmem:$0xF0];
	_ =	sdelay $0x4  }
0x191: {  	v58 =	vshll.u32 v3, $0x3  }
0x192: {  	v3 =	vand.u32 $0x7, v3;
	v4 =	vand.u32 $0xFFFFFFC0, v58  }
0x193: {  	v3 =	vor.u32 v3, v4  }
0x194: {  	v4 =	vperm.xlane v3, v0;
	_ =	sdelay $0x1  }
0x195: {  	v4 =	vadd.s32 v1, v4;
	_ =	sdelay $0x4  }
0x196: {  	[tilespmem:s31], [sflag:$0x1] =	stream.indirect_vreg.gather [hbm4b:s2+s3], $0x80, v4, vm0, $0xb8;
	[tilespmem:$0x1E180] =	vst v63  }
0x197: {  	s9 =	simm.s32 $0x980;
	v3 =	vperm.xlane v3, v2  }
0x198: {  	[tilespmem:s9], [sflag:$0x1] =	stream.indirect_vreg.gather [hbm4b:s5+s3], $0x80, v4, vm0, $0xb8;
	[tilespmem:$0x1E180] =	vst v63  }
0x199: {  	v3 =	vadd.s32 v1, v3;
	s9 =	simm.s32 $0x1180  }
0x19a: {  	[tilespmem:s9], [sflag:$0x1] =	stream.indirect_vreg.gather [hbm4b:s6+s3], $0x80, v4, vm0, $0xb8;
	[tilespmem:$0x1E180] =	vst v63  }
0x19b: {  	s9 =	simm.s32 $0x1980  }
0x19c: {  	[tilespmem:s9], [sflag:$0x1] =	stream.indirect_vreg.gather [hbm4b:s7+s3], $0x80, v4, vm0, $0xb8;
	[tilespmem:$0x1E180] =	vst v63  }
0x19d: {  	s9 =	simm.s32 $0x2180  }
0x19e: {  	[tilespmem:s9], [sflag:$0x1] =	stream.indirect_vreg.gather [hbm4b:s2+s3], $0x80, v3, vm0, $0xb8;
	[tilespmem:$0x1E180] =	vst v63  }
0x19f: {  	s9 =	simm.s32 $0x2980  }
0x1a0: {  	[tilespmem:s9], [sflag:$0x1] =	stream.indirect_vreg.gather [hbm4b:s5+s3], $0x80, v3, vm0, $0xb8;
	[tilespmem:$0x1E180] =	vst v63  }
0x1a1: {  	s9 =	simm.s32 $0x3180  }
0x1a2: {  	[tilespmem:s9], [sflag:$0x1] =	stream.indirect_vreg.gather [hbm4b:s6+s3], $0x80, v3, vm0, $0xb8;
	[tilespmem:$0x1E180] =	vst v63  }
0x1a3: {  	s9 =	simm.s32 $0x3980  }
0x1a4: {  	[tilespmem:s9], [sflag:$0x1] =	stream.indirect_vreg.gather [hbm4b:s7+s3], $0x80, v3, vm0, $0xb8;
	[tilespmem:$0x1E180] =	vst v63  }
0x1a5: {  	v3 =	vld [tilespmem:$0x100];
	_ =	sdelay $0x4  }
0x1a6: {  	v59 =	vshll.u32 v3, $0x3  }
0x1a7: {  	v3 =	vand.u32 $0x7, v3;
	v4 =	vand.u32 $0xFFFFFFC0, v59  }
0x1a8: {  	v3 =	vor.u32 v3, v4  }
0x1a9: {  	v4 =	vperm.xlane v3, v0;
	_ =	sdelay $0x1  }
0x1aa: {  	v4 =	vadd.s32 v1, v4;
	_ =	sdelay $0x3  }
0x1ab: {  	s9 =	simm.s32 $0x4180  }
0x1ac: {  	[tilespmem:s9], [sflag:$0x1] =	stream.indirect_vreg.gather [hbm4b:s2+s3], $0x80, v4, vm0, $0xb8;
	[tilespmem:$0x1E180] =	vst v63  }
0x1ad: {  	v3 =	vperm.xlane v3, v2;
	s9 =	simm.s32 $0x4980  }
0x1ae: {  	[tilespmem:s9], [sflag:$0x1] =	stream.indirect_vreg.gather [hbm4b:s5+s3], $0x80, v4, vm0, $0xb8;
	[tilespmem:$0x1E180] =	vst v63  }
0x1af: {  	v3 =	vadd.s32 v1, v3;
	s9 =	simm.s32 $0x5180  }
0x1b0: {  	[tilespmem:s9], [sflag:$0x1] =	stream.indirect_vreg.gather [hbm4b:s6+s3], $0x80, v4, vm0, $0xb8;
	[tilespmem:$0x1E180] =	vst v63  }
0x1b1: {  	s9 =	simm.s32 $0x5980  }
0x1b2: {  	[tilespmem:s9], [sflag:$0x1] =	stream.indirect_vreg.gather [hbm4b:s7+s3], $0x80, v4, vm0, $0xb8;
	[tilespmem:$0x1E180] =	vst v63  }
0x1b3: {  	s9 =	simm.s32 $0x6180  }
0x1b4: {  	[tilespmem:s9], [sflag:$0x1] =	stream.indirect_vreg.gather [hbm4b:s2+s3], $0x80, v3, vm0, $0xb8;
	[tilespmem:$0x1E180] =	vst v63  }
0x1b5: {  	s9 =	simm.s32 $0x6980  }
0x1b6: {  	[tilespmem:s9], [sflag:$0x1] =	stream.indirect_vreg.gather [hbm4b:s5+s3], $0x80, v3, vm0, $0xb8;
	[tilespmem:$0x1E180] =	vst v63  }
0x1b7: {  	s9 =	simm.s32 $0x7180  }
0x1b8: {  	[tilespmem:s9], [sflag:$0x1] =	stream.indirect_vreg.gather [hbm4b:s6+s3], $0x80, v3, vm0, $0xb8;
	[tilespmem:$0x1E180] =	vst v63  }
0x1b9: {  	s9 =	simm.s32 $0x7980  }
0x1ba: {  	[tilespmem:s9], [sflag:$0x1] =	stream.indirect_vreg.gather [hbm4b:s7+s3], $0x80, v3, vm0, $0xb8;
	[tilespmem:$0x1E180] =	vst v63  }
0x1bb: {  	v3 =	vld.msk [tilespmem:$0x110], $0xff;
	_ =	sdelay $0x4  }
0x1bc: {  	v60 =	vshll.u32 v3, $0x3  }
0x1bd: {  	v3 =	vand.u32 $0x7, v3;
	v4 =	vand.u32 $0xFFFFFFC0, v60  }
0x1be: {  	v3 =	vor.u32 v3, v4  }
0x1bf: {  	v3 =	vperm.xlane v3, v0;
	_ =	sdelay $0x1  }
0x1c0: {  	v3 =	vadd.s32 v1, v3;
	_ =	sdelay $0x3  }
0x1c1: {  	s9 =	simm.s32 $0x8180  }
0x1c2: {  	[tilespmem:s9], [sflag:$0x1] =	stream.indirect_vreg.gather [hbm4b:s2+s3], $0x80, v3, vm0, $0xb8;
	[tilespmem:$0x1E180] =	vst v63  }
0x1c3: {  	s9 =	simm.s32 $0x8980  }
0x1c4: {  	[tilespmem:s9], [sflag:$0x1] =	stream.indirect_vreg.gather [hbm4b:s5+s3], $0x80, v3, vm0, $0xb8;
	[tilespmem:$0x1E180] =	vst v63  }
0x1c5: {  	s9 =	simm.s32 $0x9180  }
0x1c6: {  	[tilespmem:s9], [sflag:$0x1] =	stream.indirect_vreg.gather [hbm4b:s6+s3], $0x80, v3, vm0, $0xb8;
	[tilespmem:$0x1E180] =	vst v63  }
0x1c7: {  	s9 =	simm.s32 $0x9980  }
0x1c8: {  	[tilespmem:s9], [sflag:$0x1] =	stream.indirect_vreg.gather [hbm4b:s7+s3], $0x80, v3, vm0, $0xb8;
	[tilespmem:$0x1E180] =	vst v63  }
0x1c9: {  	_ =	swait.ge [sflag:s26], $0xA000  }
0x1ca: {  	[sflag:s26] =	ssyncset.done $0x0  }
0x1cb: {  	s9 =	rddreg [dreg:$0x8];
	[sflag:s26] =	ssyncadd.s32 $0xFFFF6000  }
0x1cc: {  	[hbm4b:s9+s3] =	stream.linear.scatter [tilespmem:s10], [sflag:$0x6], $0xA000, $0x38;
	[tilespmem:$0x1E180] =	vst v63  }
0x1cd: {  	_ =	swait.ge [sflag:s0], $0xA000  }
0x1ce: {  	[sflag:s0] =	ssyncset.done $0x0  }
0x1cf: {  	[sflag:s0] =	ssyncadd.s32 $0xFFFF6000  }
0x1d0: {  	v3 =	vld [tilespmem:$0x118];
	_ =	sdelay $0x4  }
0x1d1: {  	v61 =	vshll.u32 v3, $0x3  }
0x1d2: {  	v3 =	vand.u32 $0x7, v3;
	v4 =	vand.u32 $0xFFFFFFC0, v61  }
0x1d3: {  	v3 =	vor.u32 v3, v4  }
0x1d4: {  	v4 =	vperm.xlane v3, v0;
	_ =	sdelay $0x1  }
0x1d5: {  	v4 =	vadd.s32 v1, v4;
	_ =	sdelay $0x4  }
0x1d6: {  	[tilespmem:s1], [sflag:$0x2] =	stream.indirect_vreg.gather [hbm4b:s2+s3], $0x80, v4, vm0, $0xb8;
	[tilespmem:$0x1E180] =	vst v63  }
0x1d7: {  	s26 =	simm.s32 $0xA980;
	v3 =	vperm.xlane v3, v2  }
0x1d8: {  	[tilespmem:s26], [sflag:$0x2] =	stream.indirect_vreg.gather [hbm4b:s5+s3], $0x80, v4, vm0, $0xb8;
	[tilespmem:$0x1E180] =	vst v63  }
0x1d9: {  	v3 =	vadd.s32 v1, v3;
	s26 =	simm.s32 $0xB180  }
0x1da: {  	[tilespmem:s26], [sflag:$0x2] =	stream.indirect_vreg.gather [hbm4b:s6+s3], $0x80, v4, vm0, $0xb8;
	[tilespmem:$0x1E180] =	vst v63  }
0x1db: {  	s26 =	simm.s32 $0xB980  }
0x1dc: {  	[tilespmem:s26], [sflag:$0x2] =	stream.indirect_vreg.gather [hbm4b:s7+s3], $0x80, v4, vm0, $0xb8;
	[tilespmem:$0x1E180] =	vst v63  }
0x1dd: {  	s26 =	simm.s32 $0xC180  }
0x1de: {  	[tilespmem:s26], [sflag:$0x2] =	stream.indirect_vreg.gather [hbm4b:s2+s3], $0x80, v3, vm0, $0xb8;
	[tilespmem:$0x1E180] =	vst v63  }
0x1df: {  	s26 =	simm.s32 $0xC980  }
0x1e0: {  	[tilespmem:s26], [sflag:$0x2] =	stream.indirect_vreg.gather [hbm4b:s5+s3], $0x80, v3, vm0, $0xb8;
	[tilespmem:$0x1E180] =	vst v63  }
0x1e1: {  	s26 =	simm.s32 $0xD180  }
0x1e2: {  	[tilespmem:s26], [sflag:$0x2] =	stream.indirect_vreg.gather [hbm4b:s6+s3], $0x80, v3, vm0, $0xb8;
	[tilespmem:$0x1E180] =	vst v63  }
0x1e3: {  	s26 =	simm.s32 $0xD980  }
0x1e4: {  	[tilespmem:s26], [sflag:$0x2] =	stream.indirect_vreg.gather [hbm4b:s7+s3], $0x80, v3, vm0, $0xb8;
	[tilespmem:$0x1E180] =	vst v63  }
0x1e5: {  	v3 =	vld [tilespmem:$0x128];
	_ =	sdelay $0x4  }
0x1e6: {  	v62 =	vshll.u32 v3, $0x3  }
0x1e7: {  	v3 =	vand.u32 $0x7, v3;
	v4 =	vand.u32 $0xFFFFFFC0, v62  }
0x1e8: {  	v3 =	vor.u32 v3, v4  }
0x1e9: {  	v4 =	vperm.xlane v3, v0;
	_ =	sdelay $0x1  }
0x1ea: {  	v4 =	vadd.s32 v1, v4;
	_ =	sdelay $0x3  }
0x1eb: {  	s26 =	simm.s32 $0xE180  }
0x1ec: {  	[tilespmem:s26], [sflag:$0x2] =	stream.indirect_vreg.gather [hbm4b:s2+s3], $0x80, v4, vm0, $0xb8;
	[tilespmem:$0x1E180] =	vst v63  }
0x1ed: {  	v3 =	vperm.xlane v3, v2;
	s26 =	simm.s32 $0xE980  }
0x1ee: {  	[tilespmem:s26], [sflag:$0x2] =	stream.indirect_vreg.gather [hbm4b:s5+s3], $0x80, v4, vm0, $0xb8;
	[tilespmem:$0x1E180] =	vst v63  }
0x1ef: {  	v3 =	vadd.s32 v1, v3;
	s26 =	simm.s32 $0xF180  }
0x1f0: {  	[tilespmem:s26], [sflag:$0x2] =	stream.indirect_vreg.gather [hbm4b:s6+s3], $0x80, v4, vm0, $0xb8;
	[tilespmem:$0x1E180] =	vst v63  }
0x1f1: {  	s26 =	simm.s32 $0xF980  }
0x1f2: {  	[tilespmem:s26], [sflag:$0x2] =	stream.indirect_vreg.gather [hbm4b:s7+s3], $0x80, v4, vm0, $0xb8;
	[tilespmem:$0x1E180] =	vst v63  }
0x1f3: {  	s26 =	simm.s32 $0x10180  }
0x1f4: {  	[tilespmem:s26], [sflag:$0x2] =	stream.indirect_vreg.gather [hbm4b:s2+s3], $0x80, v3, vm0, $0xb8;
	[tilespmem:$0x1E180] =	vst v63  }
0x1f5: {  	s26 =	simm.s32 $0x10980  }
0x1f6: {  	[tilespmem:s26], [sflag:$0x2] =	stream.indirect_vreg.gather [hbm4b:s5+s3], $0x80, v3, vm0, $0xb8;
	[tilespmem:$0x1E180] =	vst v63  }
0x1f7: {  	s26 =	simm.s32 $0x11180  }
0x1f8: {  	[tilespmem:s26], [sflag:$0x2] =	stream.indirect_vreg.gather [hbm4b:s6+s3], $0x80, v3, vm0, $0xb8;
	[tilespmem:$0x1E180] =	vst v63  }
0x1f9: {  	s26 =	simm.s32 $0x11980  }
0x1fa: {  	[tilespmem:s26], [sflag:$0x2] =	stream.indirect_vreg.gather [hbm4b:s7+s3], $0x80, v3, vm0, $0xb8;
	[tilespmem:$0x1E180] =	vst v63  }
0x1fb: {  	v3 =	vld.msk [tilespmem:$0x138], $0xff;
	_ =	sdelay $0x4  }
0x1fc: {  	v63 =	vshll.u32 v3, $0x3  }
0x1fd: {  	v3 =	vand.u32 $0x7, v3;
	v4 =	vand.u32 $0xFFFFFFC0, v63  }
0x1fe: {  	v3 =	vor.u32 v3, v4  }
0x1ff: {  	v3 =	vperm.xlane v3, v0;
	_ =	sdelay $0x1  }
0x200: {  	v3 =	vadd.s32 v1, v3;
	_ =	sdelay $0x3  }
0x201: {  	s26 =	simm.s32 $0x12180  }
0x202: {  	[tilespmem:s26], [sflag:$0x2] =	stream.indirect_vreg.gather [hbm4b:s2+s3], $0x80, v3, vm0, $0xb8;
	[tilespmem:$0x1E180] =	vst v63  }
0x203: {  	s26 =	simm.s32 $0x12980  }
0x204: {  	[tilespmem:s26], [sflag:$0x2] =	stream.indirect_vreg.gather [hbm4b:s5+s3], $0x80, v3, vm0, $0xb8;
	[tilespmem:$0x1E180] =	vst v63  }
0x205: {  	s26 =	simm.s32 $0x13180  }
0x206: {  	[tilespmem:s26], [sflag:$0x2] =	stream.indirect_vreg.gather [hbm4b:s6+s3], $0x80, v3, vm0, $0xb8;
	[tilespmem:$0x1E180] =	vst v63  }
0x207: {  	s26 =	simm.s32 $0x13980  }
0x208: {  	[tilespmem:s26], [sflag:$0x2] =	stream.indirect_vreg.gather [hbm4b:s7+s3], $0x80, v3, vm0, $0xb8;
	[tilespmem:$0x1E180] =	vst v63  }
0x209: {  	_ =	swait.ge [sflag:s11], $0xA000  }
0x20a: {  	[sflag:s11] =	ssyncset.done $0x0  }
0x20b: {  	s26 =	rddreg [dreg:$0x9];
	[sflag:s11] =	ssyncadd.s32 $0xFFFF6000  }
0x20c: {  	[hbm4b:s26+s3] =	stream.linear.scatter [tilespmem:s31], [sflag:$0x4], $0xA000, $0x38;
	[tilespmem:$0x1E180] =	vst v63  }
0x20d: {  	_ =	swait.ge [sflag:s29], $0xA000  }
0x20e: {  	[sflag:s29] =	ssyncset.done $0x0  }
0x20f: {  	s26 =	rddreg [dreg:$0xa];
	[sflag:s29] =	ssyncadd.s32 $0xFFFF6000  }
0x210: {  	[hbm4b:s26+s3] =	stream.linear.scatter [tilespmem:s1], [sflag:$0x5], $0xA000, $0x38;
	[tilespmem:$0x1E180] =	vst v63  }
0x211: {  	_ =	swait.ge [sflag:s4], $0xA000  }
0x212: {  	[sflag:s4] =	ssyncset.done $0x0  }
0x213: {  	[sflag:s4] =	ssyncadd.s32 $0xFFFF6000  }
0x214: {  	p0 =	sne.s32 s8, $0x1;
	_ =	swait.ge [sflag:s30], $0xA000  }
.Ltmp0:
0x215: {  	[sflag:s30] =	ssyncset.done $0x0;
	(pc) =	sbr.rel @p0 .LBB2_1-.Ltmp0, $4  }
0x216: {  	[sflag:s30] =	ssyncadd.s32 $0xFFFF6000  }
0x217: {  	_ =	swait.ge [sflag:s0], $0xA000  }
0x218: {  	[sflag:s0] =	ssyncset.done $0x0  }
0x219: {  	s8 =	sadd.s32 $0xFFFFFFFF, s8;
	[sflag:s0] =	ssyncadd.s32 $0xFFFF6000  }
0x21a: {  	_ =	sfence.sel $0x180000  }
0x21b: {  	[bflag:$0x0] =	sbarrier.arrive $0xFFFF  }
0x21c: {  	_ =	strace $0x90000047  }
0x21d: {  	s0 =	stileid.u32;
	[bflag:$0x2] =	sbarrier.arrive $0xFFFF  }
0x21e: {  	p0 =	sne.s32 s0, $0x0;
	s0 =	rddreg [dreg:$0x2]  }
0x21f: {  	s0 =	sadd.s32 @!p0 $0x100000, s0  }
0x220: {  	[sflag:s0] =	ssyncadd.tile.s32 @!p0 $0x1;
	_ =	shalt  }
.Lfunc_end2:
_tile_overlayer_lowered:
.L_overlay_start_2:
0x221: {  	(tag) =	ssettag $0x2  }
0x222: {  	s0 =	rddreg [dreg:$0x0];
	s2 =	stileid.u32  }
0x223: {  	s1 =	rddreg [dreg:$0x1];
	p0 =	sne.s32 s2, $0x0  }
0x224: {  	s3 =	rddreg [dreg:$0x2];
	[bflag:$0x3] =	sbarrier.arrive $0xFFFF;
	s2 =	simm.s32 @!p0 $0x1C07  }
0x225: {  	[timem:s3], [sflag:s2] =	dma.local @!p0 [hbm:s0], s1  }
0x226: {  	s0 =	simm.s32 @!p0 $0x7  }
0x227: {  	_ =	swait.ge @!p0 [sflag:s0], s1  }
0x228: {  	s1 =	ssub.s32 @!p0 $0x0, s1;
	[sflag:s0] =	ssyncset.done @!p0 $0x0  }
0x229: {  	[sflag:s0] =	ssyncadd.s32 @!p0 s1  }
0x22a: {  	[bflag:$0x3] =	sbarrier.arrive $0xFFFF  }
0x22b: {  	_ =	shalt  }

</sc_bundles>
